<compile_context>
chip_gen: v7x
topology: tpu7x:2x2x1
jax: 0.10.2.dev20260603
libtpu: 0.0.44.dev20260713+nightly
codegen_flags: <defaults>
</compile_context>

<pallas_src>
import functools

import jax
import jax.numpy as jnp
from jax import lax
from jax.experimental import pallas as pl
from jax.experimental.pallas import tpu as pltpu
from jax.experimental.pallas import tpu_sc as plsc

_D = 128
_B = 4096
_H = 200
_TOTAL = _B * _H
_NC = 2
_NS = 16
_NW = _NC * _NS
_BPW = _TOTAL // _NW
_CHUNK = 128
_NCHUNK = _BPW // _CHUNK
_NBUF = 4
_NGRP = _NCHUNK // _NBUF


def _body(idx_hbm, table_hbm, out_hbm, idx_v, rows_v, table_sh, *sems):
    gsems = sems[:_NBUF]
    osems = sems[_NBUF:]
    sid = lax.axis_index("s")
    wid = sid * _NC + lax.axis_index("c")
    base = wid * _BPW

    @pl.when(sid == 0)
    def _():
        pltpu.sync_copy(table_hbm, table_sh)

    pltpu.sync_copy(idx_hbm.at[wid], idx_v)
    plsc.subcore_barrier()

    def start_gather(b, g):
        pltpu.async_copy(table_sh.at[idx_v.at[g]], rows_v.at[b], gsems[b])

    def wait_gather(b):
        pltpu.make_async_copy(table_sh.at[idx_v.at[0]], rows_v.at[b],
                              gsems[b]).wait()

    def start_put(b, g):
        pltpu.async_copy(rows_v.at[b],
                         out_hbm.at[pl.ds(base + g * _CHUNK, _CHUNK)],
                         osems[b])

    def wait_put(b):
        pltpu.make_async_copy(rows_v.at[b],
                              out_hbm.at[pl.ds(base, _CHUNK)],
                              osems[b]).wait()

    for b in range(_NBUF):
        start_gather(b, b)

    @pl.loop(0, _NGRP - 1)
    def _grp(i):
        for b in range(_NBUF):
            wait_gather(b)
            start_put(b, i * _NBUF + b)
        for b in range(_NBUF):
            wait_put(b)
            start_gather(b, (i + 1) * _NBUF + b)

    for b in range(_NBUF):
        wait_gather(b)
        start_put(b, (_NGRP - 1) * _NBUF + b)
    for b in range(_NBUF):
        wait_put(b)


_mesh = plsc.VectorSubcoreMesh(core_axis_name="c", subcore_axis_name="s")

_gather_call = functools.partial(
    pl.kernel,
    out_type=jax.ShapeDtypeStruct((_TOTAL, _D), jnp.float32),
    mesh=_mesh,
    scratch_types=[
        pltpu.VMEM((_NCHUNK, _CHUNK), jnp.int32),
        pltpu.VMEM((_NBUF, _CHUNK, _D), jnp.float32),
        pltpu.VMEM_SHARED((1858, _D), jnp.float32),
    ] + [pltpu.SemaphoreType.DMA] * (2 * _NBUF),
)(_body)


@jax.jit
def kernel(move_indices, table):
    idx = move_indices.reshape(_NW, _NCHUNK, _CHUNK).astype(jnp.int32)
    out = _gather_call(idx, table)
    return out.reshape(_B, _H, _D)

# --- scband reference (transcript-rebuilt; emitter-appended) ---
"""Pipeline reference for scband-marvin-leela-adapter-71287867179119 (READ-ONLY COPY).

The authoritative reference and input builder live on the scoring server;
editing this copy changes nothing except your own understanding.
"""

import jax, jax.numpy as jnp
import numpy as np

NUM_MOVES = 1858
EMBED_DIM = 128
BATCH = 4096
HIST = 200

def setup_inputs(seed: int = 0) -> dict:
    key = jax.random.key(seed)
    k_idx, k_tab = jax.random.split(key)
    move_indices = jax.random.randint(k_idx, (BATCH, HIST), 0, NUM_MOVES, dtype=jnp.int64 if jax.config.jax_enable_x64 else jnp.int32)
    table = jax.random.normal(k_tab, (NUM_MOVES, EMBED_DIM), dtype=jnp.float32) * (1.0 / np.sqrt(EMBED_DIM))
    return {"move_indices": move_indices, "table": table}

def reference(move_indices, table):
    # Embedding lookup over the LC0 move vocabulary: gather rows of the
    # move-embedding table for each (batch, history-position) index.
    out = jnp.take(table, move_indices, axis=0)  # [B, L, D]
    return out

if __name__ == "__main__":
    import jax
    _d = setup_inputs()
    print(jax.jit(kernel)(*tuple(_d.values())))

</pallas_src>

<mosaic_0001>
#map = affine_map<(d0, d1) -> (0, 0, 0)>
#map1 = affine_map<(d0, d1) -> (0, 0)>
module attributes {stable_mosaic.version = 14 : i64} {
  func.func @_body(%arg0: i32, %arg1: i32, %arg2: memref<32x200x128xi32, #tpu.memory_space<hbm>>, %arg3: memref<1858x128xf32, #tpu.memory_space<hbm>>, %arg4: memref<819200x128xf32, #tpu.memory_space<hbm>>, %arg5: memref<200x128xi32, #tpu.memory_space<vmem>>, %arg6: memref<4x128x128xf32, #tpu.memory_space<vmem>>, %arg7: memref<1858x128xf32, #tpu.memory_space<vmem_shared>>, %arg8: memref<!tpu.dma_semaphore, #tpu.memory_space<semaphore_mem>>, %arg9: memref<!tpu.dma_semaphore, #tpu.memory_space<semaphore_mem>>, %arg10: memref<!tpu.dma_semaphore, #tpu.memory_space<semaphore_mem>>, %arg11: memref<!tpu.dma_semaphore, #tpu.memory_space<semaphore_mem>>, %arg12: memref<!tpu.dma_semaphore, #tpu.memory_space<semaphore_mem>>, %arg13: memref<!tpu.dma_semaphore, #tpu.memory_space<semaphore_mem>>, %arg14: memref<!tpu.dma_semaphore, #tpu.memory_space<semaphore_mem>>, %arg15: memref<!tpu.dma_semaphore, #tpu.memory_space<semaphore_mem>>) attributes {dimension_semantics = [#tpu.dimension_semantics<core_parallel>, #tpu.dimension_semantics<subcore_parallel>], iteration_bounds = array<i64: 2, 16>, scalar_prefetch = 0 : i64, scratch_operands = 11 : i64, tpu.core_type = #tpu.core_type<sc_vector_subcore>, window_params = [{transform_indices = #map}, {transform_indices = #map1}, {transform_indices = #map1}]} {
    %mul3A = arith.constant 2 : i32
    %mul3A_0 = arith.muli %arg1, %mul3A : i32
    %add3A = arith.addi %mul3A_0, %arg0 : i32
    %mul3A_1 = arith.constant 25600 : i32
    %mul3A_2 = arith.muli %add3A, %mul3A_1 : i32
    %eq3A = arith.constant 0 : i32
    %eq3A_3 = arith.cmpi eq, %arg1, %eq3A : i32
    %convert_element_type3A = arith.extui %eq3A_3 : i1 to i32
    %cond3A = arith.constant 0 : i32
    %cond3A_4 = arith.cmpi ne, %convert_element_type3A, %cond3A : i32
    scf.if %cond3A_4 {
      "tpu.region"() ({
        %run_scoped3A = tpu.sem_alloc : memref<!tpu.dma_semaphore, #tpu.memory_space<semaphore_mem>>
        tpu.enqueue_dma source(%arg3 : memref<1858x128xf32, #tpu.memory_space<hbm>>) target(%arg7 : memref<1858x128xf32, #tpu.memory_space<vmem_shared>>) target_semaphore(%run_scoped3A : memref<!tpu.dma_semaphore, #tpu.memory_space<semaphore_mem>>)
        tpu.wait_dma2 semaphore(%run_scoped3A : memref<!tpu.dma_semaphore, #tpu.memory_space<semaphore_mem>>) src(%arg3 : memref<1858x128xf32, #tpu.memory_space<hbm>>) dst(%arg7 : memref<1858x128xf32, #tpu.memory_space<vmem_shared>>)
        tpu.yield
      }) : () -> ()
    } else {
    }
    "tpu.region"() ({
      %run_scoped3A = tpu.sem_alloc : memref<!tpu.dma_semaphore, #tpu.memory_space<semaphore_mem>>
      %dma_start3A_215 = arith.constant 0 : i32
      %dma_start3A_216 = arith.constant 0 : i32
      %dma_start3A_217 = tpu.memref_slice %arg2[%add3A, %dma_start3A_215, %dma_start3A_216] : memref<32x200x128xi32, #tpu.memory_space<hbm>> -> memref<1x200x128xi32, #tpu.memory_space<hbm>>
      %dma_start3A_218 = tpu.memref_squeeze %dma_start3A_217 : memref<1x200x128xi32, #tpu.memory_space<hbm>> -> memref<200x128xi32, #tpu.memory_space<hbm>>
      %dma_start3A_219 = arith.constant 0 : i32
      %dma_start3A_220 = arith.constant 0 : i32
      %dma_start3A_221 = tpu.memref_slice %arg2[%add3A, %dma_start3A_219, %dma_start3A_220] : memref<32x200x128xi32, #tpu.memory_space<hbm>> -> memref<1x200x128xi32, #tpu.memory_space<hbm>>
      %dma_start3A_222 = tpu.memref_squeeze %dma_start3A_221 : memref<1x200x128xi32, #tpu.memory_space<hbm>> -> memref<200x128xi32, #tpu.memory_space<hbm>>
      tpu.enqueue_dma source(%dma_start3A_222 : memref<200x128xi32, #tpu.memory_space<hbm>>) target(%arg5 : memref<200x128xi32, #tpu.memory_space<vmem>>) target_semaphore(%run_scoped3A : memref<!tpu.dma_semaphore, #tpu.memory_space<semaphore_mem>>)
      %dma_wait3A_223 = arith.constant 0 : i32
      %dma_wait3A_224 = arith.constant 0 : i32
      %dma_wait3A_225 = tpu.memref_slice %arg2[%add3A, %dma_wait3A_223, %dma_wait3A_224] : memref<32x200x128xi32, #tpu.memory_space<hbm>> -> memref<1x200x128xi32, #tpu.memory_space<hbm>>
      %dma_wait3A_226 = tpu.memref_squeeze %dma_wait3A_225 : memref<1x200x128xi32, #tpu.memory_space<hbm>> -> memref<200x128xi32, #tpu.memory_space<hbm>>
      %dma_wait3A_227 = arith.constant 0 : i32
      %dma_wait3A_228 = arith.constant 0 : i32
      %dma_wait3A_229 = tpu.memref_slice %arg2[%add3A, %dma_wait3A_227, %dma_wait3A_228] : memref<32x200x128xi32, #tpu.memory_space<hbm>> -> memref<1x200x128xi32, #tpu.memory_space<hbm>>
      %dma_wait3A_230 = tpu.memref_squeeze %dma_wait3A_229 : memref<1x200x128xi32, #tpu.memory_space<hbm>> -> memref<200x128xi32, #tpu.memory_space<hbm>>
      tpu.wait_dma2 semaphore(%run_scoped3A : memref<!tpu.dma_semaphore, #tpu.memory_space<semaphore_mem>>) src(%dma_wait3A_230 : memref<200x128xi32, #tpu.memory_space<hbm>>) dst(%arg5 : memref<200x128xi32, #tpu.memory_space<vmem>>)
      tpu.yield
    }) : () -> ()
    %barrier3A = arith.constant 0 : index
    tpu.barrier barrier_id(%barrier3A)
    %dma_start3A = arith.constant 0 : i32
    %dma_start3A_5 = arith.constant 0 : i32
    %dma_start3A_6 = arith.constant 0 : i32
    %dma_start3A_7 = arith.constant 0 : i32
    %dma_start3A_8 = tpu.memref_slice %arg6[%dma_start3A_5, %dma_start3A_6, %dma_start3A_7] : memref<4x128x128xf32, #tpu.memory_space<vmem>> -> memref<1x128x128xf32, #tpu.memory_space<vmem>>
    %dma_start3A_9 = tpu.memref_squeeze %dma_start3A_8 : memref<1x128x128xf32, #tpu.memory_space<vmem>> -> memref<128x128xf32, #tpu.memory_space<vmem>>
    %dma_start3A_10 = arith.constant 0 : i32
    %dma_start3A_11 = tpu.memref_slice %arg5[%dma_start3A, %dma_start3A_10] : memref<200x128xi32, #tpu.memory_space<vmem>> -> memref<1x128xi32, #tpu.memory_space<vmem>>
    %dma_start3A_12 = tpu.memref_squeeze %dma_start3A_11 : memref<1x128xi32, #tpu.memory_space<vmem>> -> memref<128xi32, #tpu.memory_space<vmem>>
    %dma_start3A_13 = arith.constant 0 : i32
    %dma_start3A_14 = arith.constant 0 : i32
    %dma_start3A_15 = tpu.memref_slice %arg7[%dma_start3A_13, %dma_start3A_14] : memref<1858x128xf32, #tpu.memory_space<vmem_shared>> -> memref<1858x128xf32, #tpu.memory_space<vmem_shared>>
    tpu.enqueue_indirect_dma source(%dma_start3A_15 : memref<1858x128xf32, #tpu.memory_space<vmem_shared>>) target(%dma_start3A_9 : memref<128x128xf32, #tpu.memory_space<vmem>>) offsets(%dma_start3A_12 : memref<128xi32, #tpu.memory_space<vmem>>) semaphore(%arg8 : memref<!tpu.dma_semaphore, #tpu.memory_space<semaphore_mem>>)
    %dma_start3A_16 = arith.constant 1 : i32
    %dma_start3A_17 = arith.constant 1 : i32
    %dma_start3A_18 = arith.constant 0 : i32
    %dma_start3A_19 = arith.constant 0 : i32
    %dma_start3A_20 = tpu.memref_slice %arg6[%dma_start3A_17, %dma_start3A_18, %dma_start3A_19] : memref<4x128x128xf32, #tpu.memory_space<vmem>> -> memref<1x128x128xf32, #tpu.memory_space<vmem>>
    %dma_start3A_21 = tpu.memref_squeeze %dma_start3A_20 : memref<1x128x128xf32, #tpu.memory_space<vmem>> -> memref<128x128xf32, #tpu.memory_space<vmem>>
    %dma_start3A_22 = arith.constant 0 : i32
    %dma_start3A_23 = tpu.memref_slice %arg5[%dma_start3A_16, %dma_start3A_22] : memref<200x128xi32, #tpu.memory_space<vmem>> -> memref<1x128xi32, #tpu.memory_space<vmem>>
    %dma_start3A_24 = tpu.memref_squeeze %dma_start3A_23 : memref<1x128xi32, #tpu.memory_space<vmem>> -> memref<128xi32, #tpu.memory_space<vmem>>
    %dma_start3A_25 = arith.constant 0 : i32
    %dma_start3A_26 = arith.constant 0 : i32
    %dma_start3A_27 = tpu.memref_slice %arg7[%dma_start3A_25, %dma_start3A_26] : memref<1858x128xf32, #tpu.memory_space<vmem_shared>> -> memref<1858x128xf32, #tpu.memory_space<vmem_shared>>
    tpu.enqueue_indirect_dma source(%dma_start3A_27 : memref<1858x128xf32, #tpu.memory_space<vmem_shared>>) target(%dma_start3A_21 : memref<128x128xf32, #tpu.memory_space<vmem>>) offsets(%dma_start3A_24 : memref<128xi32, #tpu.memory_space<vmem>>) semaphore(%arg9 : memref<!tpu.dma_semaphore, #tpu.memory_space<semaphore_mem>>)
    %dma_start3A_28 = arith.constant 2 : i32
    %dma_start3A_29 = arith.constant 2 : i32
    %dma_start3A_30 = arith.constant 0 : i32
    %dma_start3A_31 = arith.constant 0 : i32
    %dma_start3A_32 = tpu.memref_slice %arg6[%dma_start3A_29, %dma_start3A_30, %dma_start3A_31] : memref<4x128x128xf32, #tpu.memory_space<vmem>> -> memref<1x128x128xf32, #tpu.memory_space<vmem>>
    %dma_start3A_33 = tpu.memref_squeeze %dma_start3A_32 : memref<1x128x128xf32, #tpu.memory_space<vmem>> -> memref<128x128xf32, #tpu.memory_space<vmem>>
    %dma_start3A_34 = arith.constant 0 : i32
    %dma_start3A_35 = tpu.memref_slice %arg5[%dma_start3A_28, %dma_start3A_34] : memref<200x128xi32, #tpu.memory_space<vmem>> -> memref<1x128xi32, #tpu.memory_space<vmem>>
    %dma_start3A_36 = tpu.memref_squeeze %dma_start3A_35 : memref<1x128xi32, #tpu.memory_space<vmem>> -> memref<128xi32, #tpu.memory_space<vmem>>
    %dma_start3A_37 = arith.constant 0 : i32
    %dma_start3A_38 = arith.constant 0 : i32
    %dma_start3A_39 = tpu.memref_slice %arg7[%dma_start3A_37, %dma_start3A_38] : memref<1858x128xf32, #tpu.memory_space<vmem_shared>> -> memref<1858x128xf32, #tpu.memory_space<vmem_shared>>
    tpu.enqueue_indirect_dma source(%dma_start3A_39 : memref<1858x128xf32, #tpu.memory_space<vmem_shared>>) target(%dma_start3A_33 : memref<128x128xf32, #tpu.memory_space<vmem>>) offsets(%dma_start3A_36 : memref<128xi32, #tpu.memory_space<vmem>>) semaphore(%arg10 : memref<!tpu.dma_semaphore, #tpu.memory_space<semaphore_mem>>)
    %dma_start3A_40 = arith.constant 3 : i32
    %dma_start3A_41 = arith.constant 3 : i32
    %dma_start3A_42 = arith.constant 0 : i32
    %dma_start3A_43 = arith.constant 0 : i32
    %dma_start3A_44 = tpu.memref_slice %arg6[%dma_start3A_41, %dma_start3A_42, %dma_start3A_43] : memref<4x128x128xf32, #tpu.memory_space<vmem>> -> memref<1x128x128xf32, #tpu.memory_space<vmem>>
    %dma_start3A_45 = tpu.memref_squeeze %dma_start3A_44 : memref<1x128x128xf32, #tpu.memory_space<vmem>> -> memref<128x128xf32, #tpu.memory_space<vmem>>
    %dma_start3A_46 = arith.constant 0 : i32
    %dma_start3A_47 = tpu.memref_slice %arg5[%dma_start3A_40, %dma_start3A_46] : memref<200x128xi32, #tpu.memory_space<vmem>> -> memref<1x128xi32, #tpu.memory_space<vmem>>
    %dma_start3A_48 = tpu.memref_squeeze %dma_start3A_47 : memref<1x128xi32, #tpu.memory_space<vmem>> -> memref<128xi32, #tpu.memory_space<vmem>>
    %dma_start3A_49 = arith.constant 0 : i32
    %dma_start3A_50 = arith.constant 0 : i32
    %dma_start3A_51 = tpu.memref_slice %arg7[%dma_start3A_49, %dma_start3A_50] : memref<1858x128xf32, #tpu.memory_space<vmem_shared>> -> memref<1858x128xf32, #tpu.memory_space<vmem_shared>>
    tpu.enqueue_indirect_dma source(%dma_start3A_51 : memref<1858x128xf32, #tpu.memory_space<vmem_shared>>) target(%dma_start3A_45 : memref<128x128xf32, #tpu.memory_space<vmem>>) offsets(%dma_start3A_48 : memref<128xi32, #tpu.memory_space<vmem>>) semaphore(%arg11 : memref<!tpu.dma_semaphore, #tpu.memory_space<semaphore_mem>>)
    %scan3A = arith.constant 0 : i32
    %scan3A_52 = arith.constant 49 : i32
    %scan3A_53 = arith.addi %scan3A, %scan3A_52 : i32
    %scan3A_54 = arith.constant 1 : i32
    scf.for %scan3A_215 = %scan3A to %scan3A_53 step %scan3A_54  : i32 {
      %mul3A_216 = arith.constant 1 : i32
      %mul3A_217 = arith.muli %scan3A_215, %mul3A_216 : i32
      %add3A_218 = arith.constant 0 : i32
      %add3A_219 = arith.addi %add3A_218, %mul3A_217 : i32
      %dma_wait3A_220 = arith.constant 0 : i32
      %dma_wait3A_221 = arith.constant 0 : i32
      %dma_wait3A_222 = arith.constant 0 : i32
      %dma_wait3A_223 = arith.constant 0 : i32
      %dma_wait3A_224 = tpu.memref_slice %arg6[%dma_wait3A_221, %dma_wait3A_222, %dma_wait3A_223] : memref<4x128x128xf32, #tpu.memory_space<vmem>> -> memref<1x128x128xf32, #tpu.memory_space<vmem>>
      %dma_wait3A_225 = tpu.memref_squeeze %dma_wait3A_224 : memref<1x128x128xf32, #tpu.memory_space<vmem>> -> memref<128x128xf32, #tpu.memory_space<vmem>>
      %dma_wait3A_226 = arith.constant 0 : i32
      %dma_wait3A_227 = tpu.memref_slice %arg5[%dma_wait3A_220, %dma_wait3A_226] : memref<200x128xi32, #tpu.memory_space<vmem>> -> memref<1x128xi32, #tpu.memory_space<vmem>>
      %dma_wait3A_228 = tpu.memref_squeeze %dma_wait3A_227 : memref<1x128xi32, #tpu.memory_space<vmem>> -> memref<128xi32, #tpu.memory_space<vmem>>
      %dma_wait3A_229 = arith.constant 0 : i32
      %dma_wait3A_230 = arith.constant 0 : i32
      %dma_wait3A_231 = tpu.memref_slice %arg7[%dma_wait3A_229, %dma_wait3A_230] : memref<1858x128xf32, #tpu.memory_space<vmem_shared>> -> memref<1858x128xf32, #tpu.memory_space<vmem_shared>>
      tpu.wait_indirect_dma semaphore(%arg8 : memref<!tpu.dma_semaphore, #tpu.memory_space<semaphore_mem>>) src(%dma_wait3A_231 : memref<1858x128xf32, #tpu.memory_space<vmem_shared>>) dst(%dma_wait3A_225 : memref<128x128xf32, #tpu.memory_space<vmem>>)
      %mul3A_232 = arith.constant 4 : i32
      %mul3A_233 = arith.muli %add3A_219, %mul3A_232 : i32
      %add3A_234 = arith.constant 0 : i32
      %add3A_235 = arith.addi %mul3A_233, %add3A_234 : i32
      %mul3A_236 = arith.constant 128 : i32
      %mul3A_237 = arith.muli %add3A_235, %mul3A_236 : i32
      %add3A_238 = arith.addi %mul3A_2, %mul3A_237 : i32
      %dma_start3A_239 = arith.constant 0 : i32
      %dma_start3A_240 = arith.constant 0 : i32
      %dma_start3A_241 = arith.constant 0 : i32
      %dma_start3A_242 = tpu.memref_slice %arg6[%dma_start3A_239, %dma_start3A_240, %dma_start3A_241] : memref<4x128x128xf32, #tpu.memory_space<vmem>> -> memref<1x128x128xf32, #tpu.memory_space<vmem>>
      %dma_start3A_243 = tpu.memref_squeeze %dma_start3A_242 : memref<1x128x128xf32, #tpu.memory_space<vmem>> -> memref<128x128xf32, #tpu.memory_space<vmem>>
      %dma_start3A_244 = arith.constant 0 : i32
      %dma_start3A_245 = tpu.memref_slice %arg4[%add3A_238, %dma_start3A_244] : memref<819200x128xf32, #tpu.memory_space<hbm>> -> memref<128x128xf32, #tpu.memory_space<hbm>>
      %dma_start3A_246 = arith.constant 0 : i32
      %dma_start3A_247 = tpu.memref_slice %arg4[%add3A_238, %dma_start3A_246] : memref<819200x128xf32, #tpu.memory_space<hbm>> -> memref<128x128xf32, #tpu.memory_space<hbm>>
      %dma_start3A_248 = arith.constant 0 : i32
      %dma_start3A_249 = arith.constant 0 : i32
      %dma_start3A_250 = tpu.memref_slice %arg6[%dma_start3A_239, %dma_start3A_248, %dma_start3A_249] : memref<4x128x128xf32, #tpu.memory_space<vmem>> -> memref<1x128x128xf32, #tpu.memory_space<vmem>>
      %dma_start3A_251 = tpu.memref_squeeze %dma_start3A_250 : memref<1x128x128xf32, #tpu.memory_space<vmem>> -> memref<128x128xf32, #tpu.memory_space<vmem>>
      tpu.enqueue_dma source(%dma_start3A_251 : memref<128x128xf32, #tpu.memory_space<vmem>>) target(%dma_start3A_247 : memref<128x128xf32, #tpu.memory_space<hbm>>) target_semaphore(%arg12 : memref<!tpu.dma_semaphore, #tpu.memory_space<semaphore_mem>>)
      %dma_wait3A_252 = arith.constant 0 : i32
      %dma_wait3A_253 = arith.constant 1 : i32
      %dma_wait3A_254 = arith.constant 0 : i32
      %dma_wait3A_255 = arith.constant 0 : i32
      %dma_wait3A_256 = tpu.memref_slice %arg6[%dma_wait3A_253, %dma_wait3A_254, %dma_wait3A_255] : memref<4x128x128xf32, #tpu.memory_space<vmem>> -> memref<1x128x128xf32, #tpu.memory_space<vmem>>
      %dma_wait3A_257 = tpu.memref_squeeze %dma_wait3A_256 : memref<1x128x128xf32, #tpu.memory_space<vmem>> -> memref<128x128xf32, #tpu.memory_space<vmem>>
      %dma_wait3A_258 = arith.constant 0 : i32
      %dma_wait3A_259 = tpu.memref_slice %arg5[%dma_wait3A_252, %dma_wait3A_258] : memref<200x128xi32, #tpu.memory_space<vmem>> -> memref<1x128xi32, #tpu.memory_space<vmem>>
      %dma_wait3A_260 = tpu.memref_squeeze %dma_wait3A_259 : memref<1x128xi32, #tpu.memory_space<vmem>> -> memref<128xi32, #tpu.memory_space<vmem>>
      %dma_wait3A_261 = arith.constant 0 : i32
      %dma_wait3A_262 = arith.constant 0 : i32
      %dma_wait3A_263 = tpu.memref_slice %arg7[%dma_wait3A_261, %dma_wait3A_262] : memref<1858x128xf32, #tpu.memory_space<vmem_shared>> -> memref<1858x128xf32, #tpu.memory_space<vmem_shared>>
      tpu.wait_indirect_dma semaphore(%arg9 : memref<!tpu.dma_semaphore, #tpu.memory_space<semaphore_mem>>) src(%dma_wait3A_263 : memref<1858x128xf32, #tpu.memory_space<vmem_shared>>) dst(%dma_wait3A_257 : memref<128x128xf32, #tpu.memory_space<vmem>>)
      %mul3A_264 = arith.constant 4 : i32
      %mul3A_265 = arith.muli %add3A_219, %mul3A_264 : i32
      %add3A_266 = arith.constant 1 : i32
      %add3A_267 = arith.addi %mul3A_265, %add3A_266 : i32
      %mul3A_268 = arith.constant 128 : i32
      %mul3A_269 = arith.muli %add3A_267, %mul3A_268 : i32
      %add3A_270 = arith.addi %mul3A_2, %mul3A_269 : i32
      %dma_start3A_271 = arith.constant 1 : i32
      %dma_start3A_272 = arith.constant 0 : i32
      %dma_start3A_273 = arith.constant 0 : i32
      %dma_start3A_274 = tpu.memref_slice %arg6[%dma_start3A_271, %dma_start3A_272, %dma_start3A_273] : memref<4x128x128xf32, #tpu.memory_space<vmem>> -> memref<1x128x128xf32, #tpu.memory_space<vmem>>
      %dma_start3A_275 = tpu.memref_squeeze %dma_start3A_274 : memref<1x128x128xf32, #tpu.memory_space<vmem>> -> memref<128x128xf32, #tpu.memory_space<vmem>>
      %dma_start3A_276 = arith.constant 0 : i32
      %dma_start3A_277 = tpu.memref_slice %arg4[%add3A_270, %dma_start3A_276] : memref<819200x128xf32, #tpu.memory_space<hbm>> -> memref<128x128xf32, #tpu.memory_space<hbm>>
      %dma_start3A_278 = arith.constant 0 : i32
      %dma_start3A_279 = tpu.memref_slice %arg4[%add3A_270, %dma_start3A_278] : memref<819200x128xf32, #tpu.memory_space<hbm>> -> memref<128x128xf32, #tpu.memory_space<hbm>>
      %dma_start3A_280 = arith.constant 0 : i32
      %dma_start3A_281 = arith.constant 0 : i32
      %dma_start3A_282 = tpu.memref_slice %arg6[%dma_start3A_271, %dma_start3A_280, %dma_start3A_281] : memref<4x128x128xf32, #tpu.memory_space<vmem>> -> memref<1x128x128xf32, #tpu.memory_space<vmem>>
      %dma_start3A_283 = tpu.memref_squeeze %dma_start3A_282 : memref<1x128x128xf32, #tpu.memory_space<vmem>> -> memref<128x128xf32, #tpu.memory_space<vmem>>
      tpu.enqueue_dma source(%dma_start3A_283 : memref<128x128xf32, #tpu.memory_space<vmem>>) target(%dma_start3A_279 : memref<128x128xf32, #tpu.memory_space<hbm>>) target_semaphore(%arg13 : memref<!tpu.dma_semaphore, #tpu.memory_space<semaphore_mem>>)
      %dma_wait3A_284 = arith.constant 0 : i32
      %dma_wait3A_285 = arith.constant 2 : i32
      %dma_wait3A_286 = arith.constant 0 : i32
      %dma_wait3A_287 = arith.constant 0 : i32
      %dma_wait3A_288 = tpu.memref_slice %arg6[%dma_wait3A_285, %dma_wait3A_286, %dma_wait3A_287] : memref<4x128x128xf32, #tpu.memory_space<vmem>> -> memref<1x128x128xf32, #tpu.memory_space<vmem>>
      %dma_wait3A_289 = tpu.memref_squeeze %dma_wait3A_288 : memref<1x128x128xf32, #tpu.memory_space<vmem>> -> memref<128x128xf32, #tpu.memory_space<vmem>>
      %dma_wait3A_290 = arith.constant 0 : i32
      %dma_wait3A_291 = tpu.memref_slice %arg5[%dma_wait3A_284, %dma_wait3A_290] : memref<200x128xi32, #tpu.memory_space<vmem>> -> memref<1x128xi32, #tpu.memory_space<vmem>>
      %dma_wait3A_292 = tpu.memref_squeeze %dma_wait3A_291 : memref<1x128xi32, #tpu.memory_space<vmem>> -> memref<128xi32, #tpu.memory_space<vmem>>
      %dma_wait3A_293 = arith.constant 0 : i32
      %dma_wait3A_294 = arith.constant 0 : i32
      %dma_wait3A_295 = tpu.memref_slice %arg7[%dma_wait3A_293, %dma_wait3A_294] : memref<1858x128xf32, #tpu.memory_space<vmem_shared>> -> memref<1858x128xf32, #tpu.memory_space<vmem_shared>>
      tpu.wait_indirect_dma semaphore(%arg10 : memref<!tpu.dma_semaphore, #tpu.memory_space<semaphore_mem>>) src(%dma_wait3A_295 : memref<1858x128xf32, #tpu.memory_space<vmem_shared>>) dst(%dma_wait3A_289 : memref<128x128xf32, #tpu.memory_space<vmem>>)
      %mul3A_296 = arith.constant 4 : i32
      %mul3A_297 = arith.muli %add3A_219, %mul3A_296 : i32
      %add3A_298 = arith.constant 2 : i32
      %add3A_299 = arith.addi %mul3A_297, %add3A_298 : i32
      %mul3A_300 = arith.constant 128 : i32
      %mul3A_301 = arith.muli %add3A_299, %mul3A_300 : i32
      %add3A_302 = arith.addi %mul3A_2, %mul3A_301 : i32
      %dma_start3A_303 = arith.constant 2 : i32
      %dma_start3A_304 = arith.constant 0 : i32
      %dma_start3A_305 = arith.constant 0 : i32
      %dma_start3A_306 = tpu.memref_slice %arg6[%dma_start3A_303, %dma_start3A_304, %dma_start3A_305] : memref<4x128x128xf32, #tpu.memory_space<vmem>> -> memref<1x128x128xf32, #tpu.memory_space<vmem>>
      %dma_start3A_307 = tpu.memref_squeeze %dma_start3A_306 : memref<1x128x128xf32, #tpu.memory_space<vmem>> -> memref<128x128xf32, #tpu.memory_space<vmem>>
      %dma_start3A_308 = arith.constant 0 : i32
      %dma_start3A_309 = tpu.memref_slice %arg4[%add3A_302, %dma_start3A_308] : memref<819200x128xf32, #tpu.memory_space<hbm>> -> memref<128x128xf32, #tpu.memory_space<hbm>>
      %dma_start3A_310 = arith.constant 0 : i32
      %dma_start3A_311 = tpu.memref_slice %arg4[%add3A_302, %dma_start3A_310] : memref<819200x128xf32, #tpu.memory_space<hbm>> -> memref<128x128xf32, #tpu.memory_space<hbm>>
      %dma_start3A_312 = arith.constant 0 : i32
      %dma_start3A_313 = arith.constant 0 : i32
      %dma_start3A_314 = tpu.memref_slice %arg6[%dma_start3A_303, %dma_start3A_312, %dma_start3A_313] : memref<4x128x128xf32, #tpu.memory_space<vmem>> -> memref<1x128x128xf32, #tpu.memory_space<vmem>>
      %dma_start3A_315 = tpu.memref_squeeze %dma_start3A_314 : memref<1x128x128xf32, #tpu.memory_space<vmem>> -> memref<128x128xf32, #tpu.memory_space<vmem>>
      tpu.enqueue_dma source(%dma_start3A_315 : memref<128x128xf32, #tpu.memory_space<vmem>>) target(%dma_start3A_311 : memref<128x128xf32, #tpu.memory_space<hbm>>) target_semaphore(%arg14 : memref<!tpu.dma_semaphore, #tpu.memory_space<semaphore_mem>>)
      %dma_wait3A_316 = arith.constant 0 : i32
      %dma_wait3A_317 = arith.constant 3 : i32
      %dma_wait3A_318 = arith.constant 0 : i32
      %dma_wait3A_319 = arith.constant 0 : i32
      %dma_wait3A_320 = tpu.memref_slice %arg6[%dma_wait3A_317, %dma_wait3A_318, %dma_wait3A_319] : memref<4x128x128xf32, #tpu.memory_space<vmem>> -> memref<1x128x128xf32, #tpu.memory_space<vmem>>
      %dma_wait3A_321 = tpu.memref_squeeze %dma_wait3A_320 : memref<1x128x128xf32, #tpu.memory_space<vmem>> -> memref<128x128xf32, #tpu.memory_space<vmem>>
      %dma_wait3A_322 = arith.constant 0 : i32
      %dma_wait3A_323 = tpu.memref_slice %arg5[%dma_wait3A_316, %dma_wait3A_322] : memref<200x128xi32, #tpu.memory_space<vmem>> -> memref<1x128xi32, #tpu.memory_space<vmem>>
      %dma_wait3A_324 = tpu.memref_squeeze %dma_wait3A_323 : memref<1x128xi32, #tpu.memory_space<vmem>> -> memref<128xi32, #tpu.memory_space<vmem>>
      %dma_wait3A_325 = arith.constant 0 : i32
      %dma_wait3A_326 = arith.constant 0 : i32
      %dma_wait3A_327 = tpu.memref_slice %arg7[%dma_wait3A_325, %dma_wait3A_326] : memref<1858x128xf32, #tpu.memory_space<vmem_shared>> -> memref<1858x128xf32, #tpu.memory_space<vmem_shared>>
      tpu.wait_indirect_dma semaphore(%arg11 : memref<!tpu.dma_semaphore, #tpu.memory_space<semaphore_mem>>) src(%dma_wait3A_327 : memref<1858x128xf32, #tpu.memory_space<vmem_shared>>) dst(%dma_wait3A_321 : memref<128x128xf32, #tpu.memory_space<vmem>>)
      %mul3A_328 = arith.constant 4 : i32
      %mul3A_329 = arith.muli %add3A_219, %mul3A_328 : i32
      %add3A_330 = arith.constant 3 : i32
      %add3A_331 = arith.addi %mul3A_329, %add3A_330 : i32
      %mul3A_332 = arith.constant 128 : i32
      %mul3A_333 = arith.muli %add3A_331, %mul3A_332 : i32
      %add3A_334 = arith.addi %mul3A_2, %mul3A_333 : i32
      %dma_start3A_335 = arith.constant 3 : i32
      %dma_start3A_336 = arith.constant 0 : i32
      %dma_start3A_337 = arith.constant 0 : i32
      %dma_start3A_338 = tpu.memref_slice %arg6[%dma_start3A_335, %dma_start3A_336, %dma_start3A_337] : memref<4x128x128xf32, #tpu.memory_space<vmem>> -> memref<1x128x128xf32, #tpu.memory_space<vmem>>
      %dma_start3A_339 = tpu.memref_squeeze %dma_start3A_338 : memref<1x128x128xf32, #tpu.memory_space<vmem>> -> memref<128x128xf32, #tpu.memory_space<vmem>>
      %dma_start3A_340 = arith.constant 0 : i32
      %dma_start3A_341 = tpu.memref_slice %arg4[%add3A_334, %dma_start3A_340] : memref<819200x128xf32, #tpu.memory_space<hbm>> -> memref<128x128xf32, #tpu.memory_space<hbm>>
      %dma_start3A_342 = arith.constant 0 : i32
      %dma_start3A_343 = tpu.memref_slice %arg4[%add3A_334, %dma_start3A_342] : memref<819200x128xf32, #tpu.memory_space<hbm>> -> memref<128x128xf32, #tpu.memory_space<hbm>>
      %dma_start3A_344 = arith.constant 0 : i32
      %dma_start3A_345 = arith.constant 0 : i32
      %dma_start3A_346 = tpu.memref_slice %arg6[%dma_start3A_335, %dma_start3A_344, %dma_start3A_345] : memref<4x128x128xf32, #tpu.memory_space<vmem>> -> memref<1x128x128xf32, #tpu.memory_space<vmem>>
      %dma_start3A_347 = tpu.memref_squeeze %dma_start3A_346 : memref<1x128x128xf32, #tpu.memory_space<vmem>> -> memref<128x128xf32, #tpu.memory_space<vmem>>
      tpu.enqueue_dma source(%dma_start3A_347 : memref<128x128xf32, #tpu.memory_space<vmem>>) target(%dma_start3A_343 : memref<128x128xf32, #tpu.memory_space<hbm>>) target_semaphore(%arg15 : memref<!tpu.dma_semaphore, #tpu.memory_space<semaphore_mem>>)
      %dma_wait3A_348 = arith.constant 0 : i32
      %dma_wait3A_349 = arith.constant 0 : i32
      %dma_wait3A_350 = arith.constant 0 : i32
      %dma_wait3A_351 = tpu.memref_slice %arg6[%dma_wait3A_348, %dma_wait3A_349, %dma_wait3A_350] : memref<4x128x128xf32, #tpu.memory_space<vmem>> -> memref<1x128x128xf32, #tpu.memory_space<vmem>>
      %dma_wait3A_352 = tpu.memref_squeeze %dma_wait3A_351 : memref<1x128x128xf32, #tpu.memory_space<vmem>> -> memref<128x128xf32, #tpu.memory_space<vmem>>
      %dma_wait3A_353 = arith.constant 0 : i32
      %dma_wait3A_354 = tpu.memref_slice %arg4[%mul3A_2, %dma_wait3A_353] : memref<819200x128xf32, #tpu.memory_space<hbm>> -> memref<128x128xf32, #tpu.memory_space<hbm>>
      %dma_wait3A_355 = arith.constant 0 : i32
      %dma_wait3A_356 = tpu.memref_slice %arg4[%mul3A_2, %dma_wait3A_355] : memref<819200x128xf32, #tpu.memory_space<hbm>> -> memref<128x128xf32, #tpu.memory_space<hbm>>
      %dma_wait3A_357 = arith.constant 0 : i32
      %dma_wait3A_358 = arith.constant 0 : i32
      %dma_wait3A_359 = tpu.memref_slice %arg6[%dma_wait3A_348, %dma_wait3A_357, %dma_wait3A_358] : memref<4x128x128xf32, #tpu.memory_space<vmem>> -> memref<1x128x128xf32, #tpu.memory_space<vmem>>
      %dma_wait3A_360 = tpu.memref_squeeze %dma_wait3A_359 : memref<1x128x128xf32, #tpu.memory_space<vmem>> -> memref<128x128xf32, #tpu.memory_space<vmem>>
      tpu.wait_dma2 semaphore(%arg12 : memref<!tpu.dma_semaphore, #tpu.memory_space<semaphore_mem>>) src(%dma_wait3A_360 : memref<128x128xf32, #tpu.memory_space<vmem>>) dst(%dma_wait3A_356 : memref<128x128xf32, #tpu.memory_space<hbm>>)
      %add3A_361 = arith.constant 1 : i32
      %add3A_362 = arith.addi %add3A_219, %add3A_361 : i32
      %mul3A_363 = arith.constant 4 : i32
      %mul3A_364 = arith.muli %add3A_362, %mul3A_363 : i32
      %add3A_365 = arith.constant 0 : i32
      %add3A_366 = arith.addi %mul3A_364, %add3A_365 : i32
      %dma_start3A_367 = arith.constant 0 : i32
      %dma_start3A_368 = arith.constant 0 : i32
      %dma_start3A_369 = arith.constant 0 : i32
      %dma_start3A_370 = tpu.memref_slice %arg6[%dma_start3A_367, %dma_start3A_368, %dma_start3A_369] : memref<4x128x128xf32, #tpu.memory_space<vmem>> -> memref<1x128x128xf32, #tpu.memory_space<vmem>>
      %dma_start3A_371 = tpu.memref_squeeze %dma_start3A_370 : memref<1x128x128xf32, #tpu.memory_space<vmem>> -> memref<128x128xf32, #tpu.memory_space<vmem>>
      %dma_start3A_372 = arith.constant 0 : i32
      %dma_start3A_373 = tpu.memref_slice %arg5[%add3A_366, %dma_start3A_372] : memref<200x128xi32, #tpu.memory_space<vmem>> -> memref<1x128xi32, #tpu.memory_space<vmem>>
      %dma_start3A_374 = tpu.memref_squeeze %dma_start3A_373 : memref<1x128xi32, #tpu.memory_space<vmem>> -> memref<128xi32, #tpu.memory_space<vmem>>
      %dma_start3A_375 = arith.constant 0 : i32
      %dma_start3A_376 = arith.constant 0 : i32
      %dma_start3A_377 = tpu.memref_slice %arg7[%dma_start3A_375, %dma_start3A_376] : memref<1858x128xf32, #tpu.memory_space<vmem_shared>> -> memref<1858x128xf32, #tpu.memory_space<vmem_shared>>
      tpu.enqueue_indirect_dma source(%dma_start3A_377 : memref<1858x128xf32, #tpu.memory_space<vmem_shared>>) target(%dma_start3A_371 : memref<128x128xf32, #tpu.memory_space<vmem>>) offsets(%dma_start3A_374 : memref<128xi32, #tpu.memory_space<vmem>>) semaphore(%arg8 : memref<!tpu.dma_semaphore, #tpu.memory_space<semaphore_mem>>)
      %dma_wait3A_378 = arith.constant 1 : i32
      %dma_wait3A_379 = arith.constant 0 : i32
      %dma_wait3A_380 = arith.constant 0 : i32
      %dma_wait3A_381 = tpu.memref_slice %arg6[%dma_wait3A_378, %dma_wait3A_379, %dma_wait3A_380] : memref<4x128x128xf32, #tpu.memory_space<vmem>> -> memref<1x128x128xf32, #tpu.memory_space<vmem>>
      %dma_wait3A_382 = tpu.memref_squeeze %dma_wait3A_381 : memref<1x128x128xf32, #tpu.memory_space<vmem>> -> memref<128x128xf32, #tpu.memory_space<vmem>>
      %dma_wait3A_383 = arith.constant 0 : i32
      %dma_wait3A_384 = tpu.memref_slice %arg4[%mul3A_2, %dma_wait3A_383] : memref<819200x128xf32, #tpu.memory_space<hbm>> -> memref<128x128xf32, #tpu.memory_space<hbm>>
      %dma_wait3A_385 = arith.constant 0 : i32
      %dma_wait3A_386 = tpu.memref_slice %arg4[%mul3A_2, %dma_wait3A_385] : memref<819200x128xf32, #tpu.memory_space<hbm>> -> memref<128x128xf32, #tpu.memory_space<hbm>>
      %dma_wait3A_387 = arith.constant 0 : i32
      %dma_wait3A_388 = arith.constant 0 : i32
      %dma_wait3A_389 = tpu.memref_slice %arg6[%dma_wait3A_378, %dma_wait3A_387, %dma_wait3A_388] : memref<4x128x128xf32, #tpu.memory_space<vmem>> -> memref<1x128x128xf32, #tpu.memory_space<vmem>>
      %dma_wait3A_390 = tpu.memref_squeeze %dma_wait3A_389 : memref<1x128x128xf32, #tpu.memory_space<vmem>> -> memref<128x128xf32, #tpu.memory_space<vmem>>
      tpu.wait_dma2 semaphore(%arg13 : memref<!tpu.dma_semaphore, #tpu.memory_space<semaphore_mem>>) src(%dma_wait3A_390 : memref<128x128xf32, #tpu.memory_space<vmem>>) dst(%dma_wait3A_386 : memref<128x128xf32, #tpu.memory_space<hbm>>)
      %add3A_391 = arith.constant 1 : i32
      %add3A_392 = arith.addi %add3A_219, %add3A_391 : i32
      %mul3A_393 = arith.constant 4 : i32
      %mul3A_394 = arith.muli %add3A_392, %mul3A_393 : i32
      %add3A_395 = arith.constant 1 : i32
      %add3A_396 = arith.addi %mul3A_394, %add3A_395 : i32
      %dma_start3A_397 = arith.constant 1 : i32
      %dma_start3A_398 = arith.constant 0 : i32
      %dma_start3A_399 = arith.constant 0 : i32
      %dma_start3A_400 = tpu.memref_slice %arg6[%dma_start3A_397, %dma_start3A_398, %dma_start3A_399] : memref<4x128x128xf32, #tpu.memory_space<vmem>> -> memref<1x128x128xf32, #tpu.memory_space<vmem>>
      %dma_start3A_401 = tpu.memref_squeeze %dma_start3A_400 : memref<1x128x128xf32, #tpu.memory_space<vmem>> -> memref<128x128xf32, #tpu.memory_space<vmem>>
      %dma_start3A_402 = arith.constant 0 : i32
      %dma_start3A_403 = tpu.memref_slice %arg5[%add3A_396, %dma_start3A_402] : memref<200x128xi32, #tpu.memory_space<vmem>> -> memref<1x128xi32, #tpu.memory_space<vmem>>
      %dma_start3A_404 = tpu.memref_squeeze %dma_start3A_403 : memref<1x128xi32, #tpu.memory_space<vmem>> -> memref<128xi32, #tpu.memory_space<vmem>>
      %dma_start3A_405 = arith.constant 0 : i32
      %dma_start3A_406 = arith.constant 0 : i32
      %dma_start3A_407 = tpu.memref_slice %arg7[%dma_start3A_405, %dma_start3A_406] : memref<1858x128xf32, #tpu.memory_space<vmem_shared>> -> memref<1858x128xf32, #tpu.memory_space<vmem_shared>>
      tpu.enqueue_indirect_dma source(%dma_start3A_407 : memref<1858x128xf32, #tpu.memory_space<vmem_shared>>) target(%dma_start3A_401 : memref<128x128xf32, #tpu.memory_space<vmem>>) offsets(%dma_start3A_404 : memref<128xi32, #tpu.memory_space<vmem>>) semaphore(%arg9 : memref<!tpu.dma_semaphore, #tpu.memory_space<semaphore_mem>>)
      %dma_wait3A_408 = arith.constant 2 : i32
      %dma_wait3A_409 = arith.constant 0 : i32
      %dma_wait3A_410 = arith.constant 0 : i32
      %dma_wait3A_411 = tpu.memref_slice %arg6[%dma_wait3A_408, %dma_wait3A_409, %dma_wait3A_410] : memref<4x128x128xf32, #tpu.memory_space<vmem>> -> memref<1x128x128xf32, #tpu.memory_space<vmem>>
      %dma_wait3A_412 = tpu.memref_squeeze %dma_wait3A_411 : memref<1x128x128xf32, #tpu.memory_space<vmem>> -> memref<128x128xf32, #tpu.memory_space<vmem>>
      %dma_wait3A_413 = arith.constant 0 : i32
      %dma_wait3A_414 = tpu.memref_slice %arg4[%mul3A_2, %dma_wait3A_413] : memref<819200x128xf32, #tpu.memory_space<hbm>> -> memref<128x128xf32, #tpu.memory_space<hbm>>
      %dma_wait3A_415 = arith.constant 0 : i32
      %dma_wait3A_416 = tpu.memref_slice %arg4[%mul3A_2, %dma_wait3A_415] : memref<819200x128xf32, #tpu.memory_space<hbm>> -> memref<128x128xf32, #tpu.memory_space<hbm>>
      %dma_wait3A_417 = arith.constant 0 : i32
      %dma_wait3A_418 = arith.constant 0 : i32
      %dma_wait3A_419 = tpu.memref_slice %arg6[%dma_wait3A_408, %dma_wait3A_417, %dma_wait3A_418] : memref<4x128x128xf32, #tpu.memory_space<vmem>> -> memref<1x128x128xf32, #tpu.memory_space<vmem>>
      %dma_wait3A_420 = tpu.memref_squeeze %dma_wait3A_419 : memref<1x128x128xf32, #tpu.memory_space<vmem>> -> memref<128x128xf32, #tpu.memory_space<vmem>>
      tpu.wait_dma2 semaphore(%arg14 : memref<!tpu.dma_semaphore, #tpu.memory_space<semaphore_mem>>) src(%dma_wait3A_420 : memref<128x128xf32, #tpu.memory_space<vmem>>) dst(%dma_wait3A_416 : memref<128x128xf32, #tpu.memory_space<hbm>>)
      %add3A_421 = arith.constant 1 : i32
      %add3A_422 = arith.addi %add3A_219, %add3A_421 : i32
      %mul3A_423 = arith.constant 4 : i32
      %mul3A_424 = arith.muli %add3A_422, %mul3A_423 : i32
      %add3A_425 = arith.constant 2 : i32
      %add3A_426 = arith.addi %mul3A_424, %add3A_425 : i32
      %dma_start3A_427 = arith.constant 2 : i32
      %dma_start3A_428 = arith.constant 0 : i32
      %dma_start3A_429 = arith.constant 0 : i32
      %dma_start3A_430 = tpu.memref_slice %arg6[%dma_start3A_427, %dma_start3A_428, %dma_start3A_429] : memref<4x128x128xf32, #tpu.memory_space<vmem>> -> memref<1x128x128xf32, #tpu.memory_space<vmem>>
      %dma_start3A_431 = tpu.memref_squeeze %dma_start3A_430 : memref<1x128x128xf32, #tpu.memory_space<vmem>> -> memref<128x128xf32, #tpu.memory_space<vmem>>
      %dma_start3A_432 = arith.constant 0 : i32
      %dma_start3A_433 = tpu.memref_slice %arg5[%add3A_426, %dma_start3A_432] : memref<200x128xi32, #tpu.memory_space<vmem>> -> memref<1x128xi32, #tpu.memory_space<vmem>>
      %dma_start3A_434 = tpu.memref_squeeze %dma_start3A_433 : memref<1x128xi32, #tpu.memory_space<vmem>> -> memref<128xi32, #tpu.memory_space<vmem>>
      %dma_start3A_435 = arith.constant 0 : i32
      %dma_start3A_436 = arith.constant 0 : i32
      %dma_start3A_437 = tpu.memref_slice %arg7[%dma_start3A_435, %dma_start3A_436] : memref<1858x128xf32, #tpu.memory_space<vmem_shared>> -> memref<1858x128xf32, #tpu.memory_space<vmem_shared>>
      tpu.enqueue_indirect_dma source(%dma_start3A_437 : memref<1858x128xf32, #tpu.memory_space<vmem_shared>>) target(%dma_start3A_431 : memref<128x128xf32, #tpu.memory_space<vmem>>) offsets(%dma_start3A_434 : memref<128xi32, #tpu.memory_space<vmem>>) semaphore(%arg10 : memref<!tpu.dma_semaphore, #tpu.memory_space<semaphore_mem>>)
      %dma_wait3A_438 = arith.constant 3 : i32
      %dma_wait3A_439 = arith.constant 0 : i32
      %dma_wait3A_440 = arith.constant 0 : i32
      %dma_wait3A_441 = tpu.memref_slice %arg6[%dma_wait3A_438, %dma_wait3A_439, %dma_wait3A_440] : memref<4x128x128xf32, #tpu.memory_space<vmem>> -> memref<1x128x128xf32, #tpu.memory_space<vmem>>
      %dma_wait3A_442 = tpu.memref_squeeze %dma_wait3A_441 : memref<1x128x128xf32, #tpu.memory_space<vmem>> -> memref<128x128xf32, #tpu.memory_space<vmem>>
      %dma_wait3A_443 = arith.constant 0 : i32
      %dma_wait3A_444 = tpu.memref_slice %arg4[%mul3A_2, %dma_wait3A_443] : memref<819200x128xf32, #tpu.memory_space<hbm>> -> memref<128x128xf32, #tpu.memory_space<hbm>>
      %dma_wait3A_445 = arith.constant 0 : i32
      %dma_wait3A_446 = tpu.memref_slice %arg4[%mul3A_2, %dma_wait3A_445] : memref<819200x128xf32, #tpu.memory_space<hbm>> -> memref<128x128xf32, #tpu.memory_space<hbm>>
      %dma_wait3A_447 = arith.constant 0 : i32
      %dma_wait3A_448 = arith.constant 0 : i32
      %dma_wait3A_449 = tpu.memref_slice %arg6[%dma_wait3A_438, %dma_wait3A_447, %dma_wait3A_448] : memref<4x128x128xf32, #tpu.memory_space<vmem>> -> memref<1x128x128xf32, #tpu.memory_space<vmem>>
      %dma_wait3A_450 = tpu.memref_squeeze %dma_wait3A_449 : memref<1x128x128xf32, #tpu.memory_space<vmem>> -> memref<128x128xf32, #tpu.memory_space<vmem>>
      tpu.wait_dma2 semaphore(%arg15 : memref<!tpu.dma_semaphore, #tpu.memory_space<semaphore_mem>>) src(%dma_wait3A_450 : memref<128x128xf32, #tpu.memory_space<vmem>>) dst(%dma_wait3A_446 : memref<128x128xf32, #tpu.memory_space<hbm>>)
      %add3A_451 = arith.constant 1 : i32
      %add3A_452 = arith.addi %add3A_219, %add3A_451 : i32
      %mul3A_453 = arith.constant 4 : i32
      %mul3A_454 = arith.muli %add3A_452, %mul3A_453 : i32
      %add3A_455 = arith.constant 3 : i32
      %add3A_456 = arith.addi %mul3A_454, %add3A_455 : i32
      %dma_start3A_457 = arith.constant 3 : i32
      %dma_start3A_458 = arith.constant 0 : i32
      %dma_start3A_459 = arith.constant 0 : i32
      %dma_start3A_460 = tpu.memref_slice %arg6[%dma_start3A_457, %dma_start3A_458, %dma_start3A_459] : memref<4x128x128xf32, #tpu.memory_space<vmem>> -> memref<1x128x128xf32, #tpu.memory_space<vmem>>
      %dma_start3A_461 = tpu.memref_squeeze %dma_start3A_460 : memref<1x128x128xf32, #tpu.memory_space<vmem>> -> memref<128x128xf32, #tpu.memory_space<vmem>>
      %dma_start3A_462 = arith.constant 0 : i32
      %dma_start3A_463 = tpu.memref_slice %arg5[%add3A_456, %dma_start3A_462] : memref<200x128xi32, #tpu.memory_space<vmem>> -> memref<1x128xi32, #tpu.memory_space<vmem>>
      %dma_start3A_464 = tpu.memref_squeeze %dma_start3A_463 : memref<1x128xi32, #tpu.memory_space<vmem>> -> memref<128xi32, #tpu.memory_space<vmem>>
      %dma_start3A_465 = arith.constant 0 : i32
      %dma_start3A_466 = arith.constant 0 : i32
      %dma_start3A_467 = tpu.memref_slice %arg7[%dma_start3A_465, %dma_start3A_466] : memref<1858x128xf32, #tpu.memory_space<vmem_shared>> -> memref<1858x128xf32, #tpu.memory_space<vmem_shared>>
      tpu.enqueue_indirect_dma source(%dma_start3A_467 : memref<1858x128xf32, #tpu.memory_space<vmem_shared>>) target(%dma_start3A_461 : memref<128x128xf32, #tpu.memory_space<vmem>>) offsets(%dma_start3A_464 : memref<128xi32, #tpu.memory_space<vmem>>) semaphore(%arg11 : memref<!tpu.dma_semaphore, #tpu.memory_space<semaphore_mem>>)
    }
    %scan3A_55 = arith.constant 49 : i32
    %dma_wait3A = arith.constant 0 : i32
    %dma_wait3A_56 = arith.constant 0 : i32
    %dma_wait3A_57 = arith.constant 0 : i32
    %dma_wait3A_58 = arith.constant 0 : i32
    %dma_wait3A_59 = tpu.memref_slice %arg6[%dma_wait3A_56, %dma_wait3A_57, %dma_wait3A_58] : memref<4x128x128xf32, #tpu.memory_space<vmem>> -> memref<1x128x128xf32, #tpu.memory_space<vmem>>
    %dma_wait3A_60 = tpu.memref_squeeze %dma_wait3A_59 : memref<1x128x128xf32, #tpu.memory_space<vmem>> -> memref<128x128xf32, #tpu.memory_space<vmem>>
    %dma_wait3A_61 = arith.constant 0 : i32
    %dma_wait3A_62 = tpu.memref_slice %arg5[%dma_wait3A, %dma_wait3A_61] : memref<200x128xi32, #tpu.memory_space<vmem>> -> memref<1x128xi32, #tpu.memory_space<vmem>>
    %dma_wait3A_63 = tpu.memref_squeeze %dma_wait3A_62 : memref<1x128xi32, #tpu.memory_space<vmem>> -> memref<128xi32, #tpu.memory_space<vmem>>
    %dma_wait3A_64 = arith.constant 0 : i32
    %dma_wait3A_65 = arith.constant 0 : i32
    %dma_wait3A_66 = tpu.memref_slice %arg7[%dma_wait3A_64, %dma_wait3A_65] : memref<1858x128xf32, #tpu.memory_space<vmem_shared>> -> memref<1858x128xf32, #tpu.memory_space<vmem_shared>>
    tpu.wait_indirect_dma semaphore(%arg8 : memref<!tpu.dma_semaphore, #tpu.memory_space<semaphore_mem>>) src(%dma_wait3A_66 : memref<1858x128xf32, #tpu.memory_space<vmem_shared>>) dst(%dma_wait3A_60 : memref<128x128xf32, #tpu.memory_space<vmem>>)
    %add3A_67 = arith.constant 25088 : i32
    %add3A_68 = arith.addi %mul3A_2, %add3A_67 : i32
    %dma_start3A_69 = arith.constant 0 : i32
    %dma_start3A_70 = arith.constant 0 : i32
    %dma_start3A_71 = arith.constant 0 : i32
    %dma_start3A_72 = tpu.memref_slice %arg6[%dma_start3A_69, %dma_start3A_70, %dma_start3A_71] : memref<4x128x128xf32, #tpu.memory_space<vmem>> -> memref<1x128x128xf32, #tpu.memory_space<vmem>>
    %dma_start3A_73 = tpu.memref_squeeze %dma_start3A_72 : memref<1x128x128xf32, #tpu.memory_space<vmem>> -> memref<128x128xf32, #tpu.memory_space<vmem>>
    %dma_start3A_74 = arith.constant 0 : i32
    %dma_start3A_75 = tpu.memref_slice %arg4[%add3A_68, %dma_start3A_74] : memref<819200x128xf32, #tpu.memory_space<hbm>> -> memref<128x128xf32, #tpu.memory_space<hbm>>
    %dma_start3A_76 = arith.constant 0 : i32
    %dma_start3A_77 = tpu.memref_slice %arg4[%add3A_68, %dma_start3A_76] : memref<819200x128xf32, #tpu.memory_space<hbm>> -> memref<128x128xf32, #tpu.memory_space<hbm>>
    %dma_start3A_78 = arith.constant 0 : i32
    %dma_start3A_79 = arith.constant 0 : i32
    %dma_start3A_80 = tpu.memref_slice %arg6[%dma_start3A_69, %dma_start3A_78, %dma_start3A_79] : memref<4x128x128xf32, #tpu.memory_space<vmem>> -> memref<1x128x128xf32, #tpu.memory_space<vmem>>
    %dma_start3A_81 = tpu.memref_squeeze %dma_start3A_80 : memref<1x128x128xf32, #tpu.memory_space<vmem>> -> memref<128x128xf32, #tpu.memory_space<vmem>>
    tpu.enqueue_dma source(%dma_start3A_81 : memref<128x128xf32, #tpu.memory_space<vmem>>) target(%dma_start3A_77 : memref<128x128xf32, #tpu.memory_space<hbm>>) target_semaphore(%arg12 : memref<!tpu.dma_semaphore, #tpu.memory_space<semaphore_mem>>)
    %dma_wait3A_82 = arith.constant 0 : i32
    %dma_wait3A_83 = arith.constant 1 : i32
    %dma_wait3A_84 = arith.constant 0 : i32
    %dma_wait3A_85 = arith.constant 0 : i32
    %dma_wait3A_86 = tpu.memref_slice %arg6[%dma_wait3A_83, %dma_wait3A_84, %dma_wait3A_85] : memref<4x128x128xf32, #tpu.memory_space<vmem>> -> memref<1x128x128xf32, #tpu.memory_space<vmem>>
    %dma_wait3A_87 = tpu.memref_squeeze %dma_wait3A_86 : memref<1x128x128xf32, #tpu.memory_space<vmem>> -> memref<128x128xf32, #tpu.memory_space<vmem>>
    %dma_wait3A_88 = arith.constant 0 : i32
    %dma_wait3A_89 = tpu.memref_slice %arg5[%dma_wait3A_82, %dma_wait3A_88] : memref<200x128xi32, #tpu.memory_space<vmem>> -> memref<1x128xi32, #tpu.memory_space<vmem>>
    %dma_wait3A_90 = tpu.memref_squeeze %dma_wait3A_89 : memref<1x128xi32, #tpu.memory_space<vmem>> -> memref<128xi32, #tpu.memory_space<vmem>>
    %dma_wait3A_91 = arith.constant 0 : i32
    %dma_wait3A_92 = arith.constant 0 : i32
    %dma_wait3A_93 = tpu.memref_slice %arg7[%dma_wait3A_91, %dma_wait3A_92] : memref<1858x128xf32, #tpu.memory_space<vmem_shared>> -> memref<1858x128xf32, #tpu.memory_space<vmem_shared>>
    tpu.wait_indirect_dma semaphore(%arg9 : memref<!tpu.dma_semaphore, #tpu.memory_space<semaphore_mem>>) src(%dma_wait3A_93 : memref<1858x128xf32, #tpu.memory_space<vmem_shared>>) dst(%dma_wait3A_87 : memref<128x128xf32, #tpu.memory_space<vmem>>)
    %add3A_94 = arith.constant 25216 : i32
    %add3A_95 = arith.addi %mul3A_2, %add3A_94 : i32
    %dma_start3A_96 = arith.constant 1 : i32
    %dma_start3A_97 = arith.constant 0 : i32
    %dma_start3A_98 = arith.constant 0 : i32
    %dma_start3A_99 = tpu.memref_slice %arg6[%dma_start3A_96, %dma_start3A_97, %dma_start3A_98] : memref<4x128x128xf32, #tpu.memory_space<vmem>> -> memref<1x128x128xf32, #tpu.memory_space<vmem>>
    %dma_start3A_100 = tpu.memref_squeeze %dma_start3A_99 : memref<1x128x128xf32, #tpu.memory_space<vmem>> -> memref<128x128xf32, #tpu.memory_space<vmem>>
    %dma_start3A_101 = arith.constant 0 : i32
    %dma_start3A_102 = tpu.memref_slice %arg4[%add3A_95, %dma_start3A_101] : memref<819200x128xf32, #tpu.memory_space<hbm>> -> memref<128x128xf32, #tpu.memory_space<hbm>>
    %dma_start3A_103 = arith.constant 0 : i32
    %dma_start3A_104 = tpu.memref_slice %arg4[%add3A_95, %dma_start3A_103] : memref<819200x128xf32, #tpu.memory_space<hbm>> -> memref<128x128xf32, #tpu.memory_space<hbm>>
    %dma_start3A_105 = arith.constant 0 : i32
    %dma_start3A_106 = arith.constant 0 : i32
    %dma_start3A_107 = tpu.memref_slice %arg6[%dma_start3A_96, %dma_start3A_105, %dma_start3A_106] : memref<4x128x128xf32, #tpu.memory_space<vmem>> -> memref<1x128x128xf32, #tpu.memory_space<vmem>>
    %dma_start3A_108 = tpu.memref_squeeze %dma_start3A_107 : memref<1x128x128xf32, #tpu.memory_space<vmem>> -> memref<128x128xf32, #tpu.memory_space<vmem>>
    tpu.enqueue_dma source(%dma_start3A_108 : memref<128x128xf32, #tpu.memory_space<vmem>>) target(%dma_start3A_104 : memref<128x128xf32, #tpu.memory_space<hbm>>) target_semaphore(%arg13 : memref<!tpu.dma_semaphore, #tpu.memory_space<semaphore_mem>>)
    %dma_wait3A_109 = arith.constant 0 : i32
    %dma_wait3A_110 = arith.constant 2 : i32
    %dma_wait3A_111 = arith.constant 0 : i32
    %dma_wait3A_112 = arith.constant 0 : i32
    %dma_wait3A_113 = tpu.memref_slice %arg6[%dma_wait3A_110, %dma_wait3A_111, %dma_wait3A_112] : memref<4x128x128xf32, #tpu.memory_space<vmem>> -> memref<1x128x128xf32, #tpu.memory_space<vmem>>
    %dma_wait3A_114 = tpu.memref_squeeze %dma_wait3A_113 : memref<1x128x128xf32, #tpu.memory_space<vmem>> -> memref<128x128xf32, #tpu.memory_space<vmem>>
    %dma_wait3A_115 = arith.constant 0 : i32
    %dma_wait3A_116 = tpu.memref_slice %arg5[%dma_wait3A_109, %dma_wait3A_115] : memref<200x128xi32, #tpu.memory_space<vmem>> -> memref<1x128xi32, #tpu.memory_space<vmem>>
    %dma_wait3A_117 = tpu.memref_squeeze %dma_wait3A_116 : memref<1x128xi32, #tpu.memory_space<vmem>> -> memref<128xi32, #tpu.memory_space<vmem>>
    %dma_wait3A_118 = arith.constant 0 : i32
    %dma_wait3A_119 = arith.constant 0 : i32
    %dma_wait3A_120 = tpu.memref_slice %arg7[%dma_wait3A_118, %dma_wait3A_119] : memref<1858x128xf32, #tpu.memory_space<vmem_shared>> -> memref<1858x128xf32, #tpu.memory_space<vmem_shared>>
    tpu.wait_indirect_dma semaphore(%arg10 : memref<!tpu.dma_semaphore, #tpu.memory_space<semaphore_mem>>) src(%dma_wait3A_120 : memref<1858x128xf32, #tpu.memory_space<vmem_shared>>) dst(%dma_wait3A_114 : memref<128x128xf32, #tpu.memory_space<vmem>>)
    %add3A_121 = arith.constant 25344 : i32
    %add3A_122 = arith.addi %mul3A_2, %add3A_121 : i32
    %dma_start3A_123 = arith.constant 2 : i32
    %dma_start3A_124 = arith.constant 0 : i32
    %dma_start3A_125 = arith.constant 0 : i32
    %dma_start3A_126 = tpu.memref_slice %arg6[%dma_start3A_123, %dma_start3A_124, %dma_start3A_125] : memref<4x128x128xf32, #tpu.memory_space<vmem>> -> memref<1x128x128xf32, #tpu.memory_space<vmem>>
    %dma_start3A_127 = tpu.memref_squeeze %dma_start3A_126 : memref<1x128x128xf32, #tpu.memory_space<vmem>> -> memref<128x128xf32, #tpu.memory_space<vmem>>
    %dma_start3A_128 = arith.constant 0 : i32
    %dma_start3A_129 = tpu.memref_slice %arg4[%add3A_122, %dma_start3A_128] : memref<819200x128xf32, #tpu.memory_space<hbm>> -> memref<128x128xf32, #tpu.memory_space<hbm>>
    %dma_start3A_130 = arith.constant 0 : i32
    %dma_start3A_131 = tpu.memref_slice %arg4[%add3A_122, %dma_start3A_130] : memref<819200x128xf32, #tpu.memory_space<hbm>> -> memref<128x128xf32, #tpu.memory_space<hbm>>
    %dma_start3A_132 = arith.constant 0 : i32
    %dma_start3A_133 = arith.constant 0 : i32
    %dma_start3A_134 = tpu.memref_slice %arg6[%dma_start3A_123, %dma_start3A_132, %dma_start3A_133] : memref<4x128x128xf32, #tpu.memory_space<vmem>> -> memref<1x128x128xf32, #tpu.memory_space<vmem>>
    %dma_start3A_135 = tpu.memref_squeeze %dma_start3A_134 : memref<1x128x128xf32, #tpu.memory_space<vmem>> -> memref<128x128xf32, #tpu.memory_space<vmem>>
    tpu.enqueue_dma source(%dma_start3A_135 : memref<128x128xf32, #tpu.memory_space<vmem>>) target(%dma_start3A_131 : memref<128x128xf32, #tpu.memory_space<hbm>>) target_semaphore(%arg14 : memref<!tpu.dma_semaphore, #tpu.memory_space<semaphore_mem>>)
    %dma_wait3A_136 = arith.constant 0 : i32
    %dma_wait3A_137 = arith.constant 3 : i32
    %dma_wait3A_138 = arith.constant 0 : i32
    %dma_wait3A_139 = arith.constant 0 : i32
    %dma_wait3A_140 = tpu.memref_slice %arg6[%dma_wait3A_137, %dma_wait3A_138, %dma_wait3A_139] : memref<4x128x128xf32, #tpu.memory_space<vmem>> -> memref<1x128x128xf32, #tpu.memory_space<vmem>>
    %dma_wait3A_141 = tpu.memref_squeeze %dma_wait3A_140 : memref<1x128x128xf32, #tpu.memory_space<vmem>> -> memref<128x128xf32, #tpu.memory_space<vmem>>
    %dma_wait3A_142 = arith.constant 0 : i32
    %dma_wait3A_143 = tpu.memref_slice %arg5[%dma_wait3A_136, %dma_wait3A_142] : memref<200x128xi32, #tpu.memory_space<vmem>> -> memref<1x128xi32, #tpu.memory_space<vmem>>
    %dma_wait3A_144 = tpu.memref_squeeze %dma_wait3A_143 : memref<1x128xi32, #tpu.memory_space<vmem>> -> memref<128xi32, #tpu.memory_space<vmem>>
    %dma_wait3A_145 = arith.constant 0 : i32
    %dma_wait3A_146 = arith.constant 0 : i32
    %dma_wait3A_147 = tpu.memref_slice %arg7[%dma_wait3A_145, %dma_wait3A_146] : memref<1858x128xf32, #tpu.memory_space<vmem_shared>> -> memref<1858x128xf32, #tpu.memory_space<vmem_shared>>
    tpu.wait_indirect_dma semaphore(%arg11 : memref<!tpu.dma_semaphore, #tpu.memory_space<semaphore_mem>>) src(%dma_wait3A_147 : memref<1858x128xf32, #tpu.memory_space<vmem_shared>>) dst(%dma_wait3A_141 : memref<128x128xf32, #tpu.memory_space<vmem>>)
    %add3A_148 = arith.constant 25472 : i32
    %add3A_149 = arith.addi %mul3A_2, %add3A_148 : i32
    %dma_start3A_150 = arith.constant 3 : i32
    %dma_start3A_151 = arith.constant 0 : i32
    %dma_start3A_152 = arith.constant 0 : i32
    %dma_start3A_153 = tpu.memref_slice %arg6[%dma_start3A_150, %dma_start3A_151, %dma_start3A_152] : memref<4x128x128xf32, #tpu.memory_space<vmem>> -> memref<1x128x128xf32, #tpu.memory_space<vmem>>
    %dma_start3A_154 = tpu.memref_squeeze %dma_start3A_153 : memref<1x128x128xf32, #tpu.memory_space<vmem>> -> memref<128x128xf32, #tpu.memory_space<vmem>>
    %dma_start3A_155 = arith.constant 0 : i32
    %dma_start3A_156 = tpu.memref_slice %arg4[%add3A_149, %dma_start3A_155] : memref<819200x128xf32, #tpu.memory_space<hbm>> -> memref<128x128xf32, #tpu.memory_space<hbm>>
    %dma_start3A_157 = arith.constant 0 : i32
    %dma_start3A_158 = tpu.memref_slice %arg4[%add3A_149, %dma_start3A_157] : memref<819200x128xf32, #tpu.memory_space<hbm>> -> memref<128x128xf32, #tpu.memory_space<hbm>>
    %dma_start3A_159 = arith.constant 0 : i32
    %dma_start3A_160 = arith.constant 0 : i32
    %dma_start3A_161 = tpu.memref_slice %arg6[%dma_start3A_150, %dma_start3A_159, %dma_start3A_160] : memref<4x128x128xf32, #tpu.memory_space<vmem>> -> memref<1x128x128xf32, #tpu.memory_space<vmem>>
    %dma_start3A_162 = tpu.memref_squeeze %dma_start3A_161 : memref<1x128x128xf32, #tpu.memory_space<vmem>> -> memref<128x128xf32, #tpu.memory_space<vmem>>
    tpu.enqueue_dma source(%dma_start3A_162 : memref<128x128xf32, #tpu.memory_space<vmem>>) target(%dma_start3A_158 : memref<128x128xf32, #tpu.memory_space<hbm>>) target_semaphore(%arg15 : memref<!tpu.dma_semaphore, #tpu.memory_space<semaphore_mem>>)
    %dma_wait3A_163 = arith.constant 0 : i32
    %dma_wait3A_164 = arith.constant 0 : i32
    %dma_wait3A_165 = arith.constant 0 : i32
    %dma_wait3A_166 = tpu.memref_slice %arg6[%dma_wait3A_163, %dma_wait3A_164, %dma_wait3A_165] : memref<4x128x128xf32, #tpu.memory_space<vmem>> -> memref<1x128x128xf32, #tpu.memory_space<vmem>>
    %dma_wait3A_167 = tpu.memref_squeeze %dma_wait3A_166 : memref<1x128x128xf32, #tpu.memory_space<vmem>> -> memref<128x128xf32, #tpu.memory_space<vmem>>
    %dma_wait3A_168 = arith.constant 0 : i32
    %dma_wait3A_169 = tpu.memref_slice %arg4[%mul3A_2, %dma_wait3A_168] : memref<819200x128xf32, #tpu.memory_space<hbm>> -> memref<128x128xf32, #tpu.memory_space<hbm>>
    %dma_wait3A_170 = arith.constant 0 : i32
    %dma_wait3A_171 = tpu.memref_slice %arg4[%mul3A_2, %dma_wait3A_170] : memref<819200x128xf32, #tpu.memory_space<hbm>> -> memref<128x128xf32, #tpu.memory_space<hbm>>
    %dma_wait3A_172 = arith.constant 0 : i32
    %dma_wait3A_173 = arith.constant 0 : i32
    %dma_wait3A_174 = tpu.memref_slice %arg6[%dma_wait3A_163, %dma_wait3A_172, %dma_wait3A_173] : memref<4x128x128xf32, #tpu.memory_space<vmem>> -> memref<1x128x128xf32, #tpu.memory_space<vmem>>
    %dma_wait3A_175 = tpu.memref_squeeze %dma_wait3A_174 : memref<1x128x128xf32, #tpu.memory_space<vmem>> -> memref<128x128xf32, #tpu.memory_space<vmem>>
    tpu.wait_dma2 semaphore(%arg12 : memref<!tpu.dma_semaphore, #tpu.memory_space<semaphore_mem>>) src(%dma_wait3A_175 : memref<128x128xf32, #tpu.memory_space<vmem>>) dst(%dma_wait3A_171 : memref<128x128xf32, #tpu.memory_space<hbm>>)
    %dma_wait3A_176 = arith.constant 1 : i32
    %dma_wait3A_177 = arith.constant 0 : i32
    %dma_wait3A_178 = arith.constant 0 : i32
    %dma_wait3A_179 = tpu.memref_slice %arg6[%dma_wait3A_176, %dma_wait3A_177, %dma_wait3A_178] : memref<4x128x128xf32, #tpu.memory_space<vmem>> -> memref<1x128x128xf32, #tpu.memory_space<vmem>>
    %dma_wait3A_180 = tpu.memref_squeeze %dma_wait3A_179 : memref<1x128x128xf32, #tpu.memory_space<vmem>> -> memref<128x128xf32, #tpu.memory_space<vmem>>
    %dma_wait3A_181 = arith.constant 0 : i32
    %dma_wait3A_182 = tpu.memref_slice %arg4[%mul3A_2, %dma_wait3A_181] : memref<819200x128xf32, #tpu.memory_space<hbm>> -> memref<128x128xf32, #tpu.memory_space<hbm>>
    %dma_wait3A_183 = arith.constant 0 : i32
    %dma_wait3A_184 = tpu.memref_slice %arg4[%mul3A_2, %dma_wait3A_183] : memref<819200x128xf32, #tpu.memory_space<hbm>> -> memref<128x128xf32, #tpu.memory_space<hbm>>
    %dma_wait3A_185 = arith.constant 0 : i32
    %dma_wait3A_186 = arith.constant 0 : i32
    %dma_wait3A_187 = tpu.memref_slice %arg6[%dma_wait3A_176, %dma_wait3A_185, %dma_wait3A_186] : memref<4x128x128xf32, #tpu.memory_space<vmem>> -> memref<1x128x128xf32, #tpu.memory_space<vmem>>
    %dma_wait3A_188 = tpu.memref_squeeze %dma_wait3A_187 : memref<1x128x128xf32, #tpu.memory_space<vmem>> -> memref<128x128xf32, #tpu.memory_space<vmem>>
    tpu.wait_dma2 semaphore(%arg13 : memref<!tpu.dma_semaphore, #tpu.memory_space<semaphore_mem>>) src(%dma_wait3A_188 : memref<128x128xf32, #tpu.memory_space<vmem>>) dst(%dma_wait3A_184 : memref<128x128xf32, #tpu.memory_space<hbm>>)
    %dma_wait3A_189 = arith.constant 2 : i32
    %dma_wait3A_190 = arith.constant 0 : i32
    %dma_wait3A_191 = arith.constant 0 : i32
    %dma_wait3A_192 = tpu.memref_slice %arg6[%dma_wait3A_189, %dma_wait3A_190, %dma_wait3A_191] : memref<4x128x128xf32, #tpu.memory_space<vmem>> -> memref<1x128x128xf32, #tpu.memory_space<vmem>>
    %dma_wait3A_193 = tpu.memref_squeeze %dma_wait3A_192 : memref<1x128x128xf32, #tpu.memory_space<vmem>> -> memref<128x128xf32, #tpu.memory_space<vmem>>
    %dma_wait3A_194 = arith.constant 0 : i32
    %dma_wait3A_195 = tpu.memref_slice %arg4[%mul3A_2, %dma_wait3A_194] : memref<819200x128xf32, #tpu.memory_space<hbm>> -> memref<128x128xf32, #tpu.memory_space<hbm>>
    %dma_wait3A_196 = arith.constant 0 : i32
    %dma_wait3A_197 = tpu.memref_slice %arg4[%mul3A_2, %dma_wait3A_196] : memref<819200x128xf32, #tpu.memory_space<hbm>> -> memref<128x128xf32, #tpu.memory_space<hbm>>
    %dma_wait3A_198 = arith.constant 0 : i32
    %dma_wait3A_199 = arith.constant 0 : i32
    %dma_wait3A_200 = tpu.memref_slice %arg6[%dma_wait3A_189, %dma_wait3A_198, %dma_wait3A_199] : memref<4x128x128xf32, #tpu.memory_space<vmem>> -> memref<1x128x128xf32, #tpu.memory_space<vmem>>
    %dma_wait3A_201 = tpu.memref_squeeze %dma_wait3A_200 : memref<1x128x128xf32, #tpu.memory_space<vmem>> -> memref<128x128xf32, #tpu.memory_space<vmem>>
    tpu.wait_dma2 semaphore(%arg14 : memref<!tpu.dma_semaphore, #tpu.memory_space<semaphore_mem>>) src(%dma_wait3A_201 : memref<128x128xf32, #tpu.memory_space<vmem>>) dst(%dma_wait3A_197 : memref<128x128xf32, #tpu.memory_space<hbm>>)
    %dma_wait3A_202 = arith.constant 3 : i32
    %dma_wait3A_203 = arith.constant 0 : i32
    %dma_wait3A_204 = arith.constant 0 : i32
    %dma_wait3A_205 = tpu.memref_slice %arg6[%dma_wait3A_202, %dma_wait3A_203, %dma_wait3A_204] : memref<4x128x128xf32, #tpu.memory_space<vmem>> -> memref<1x128x128xf32, #tpu.memory_space<vmem>>
    %dma_wait3A_206 = tpu.memref_squeeze %dma_wait3A_205 : memref<1x128x128xf32, #tpu.memory_space<vmem>> -> memref<128x128xf32, #tpu.memory_space<vmem>>
    %dma_wait3A_207 = arith.constant 0 : i32
    %dma_wait3A_208 = tpu.memref_slice %arg4[%mul3A_2, %dma_wait3A_207] : memref<819200x128xf32, #tpu.memory_space<hbm>> -> memref<128x128xf32, #tpu.memory_space<hbm>>
    %dma_wait3A_209 = arith.constant 0 : i32
    %dma_wait3A_210 = tpu.memref_slice %arg4[%mul3A_2, %dma_wait3A_209] : memref<819200x128xf32, #tpu.memory_space<hbm>> -> memref<128x128xf32, #tpu.memory_space<hbm>>
    %dma_wait3A_211 = arith.constant 0 : i32
    %dma_wait3A_212 = arith.constant 0 : i32
    %dma_wait3A_213 = tpu.memref_slice %arg6[%dma_wait3A_202, %dma_wait3A_211, %dma_wait3A_212] : memref<4x128x128xf32, #tpu.memory_space<vmem>> -> memref<1x128x128xf32, #tpu.memory_space<vmem>>
    %dma_wait3A_214 = tpu.memref_squeeze %dma_wait3A_213 : memref<1x128x128xf32, #tpu.memory_space<vmem>> -> memref<128x128xf32, #tpu.memory_space<vmem>>
    tpu.wait_dma2 semaphore(%arg15 : memref<!tpu.dma_semaphore, #tpu.memory_space<semaphore_mem>>) src(%dma_wait3A_214 : memref<128x128xf32, #tpu.memory_space<vmem>>) dst(%dma_wait3A_210 : memref<128x128xf32, #tpu.memory_space<hbm>>)
    return
  }
}

</mosaic_0001>

<sc_bundles>
// kernel: kernel.3.cloned.1.call-start
scs
__scs_entry_jumppad:
0x0: {  	(pc) =	sbr.rel $0x88, $3  }
0x1: {  	(tag) =	ssettag $0x0;
	lr =	simm.s32 $0x1  }
0x2: {  	[smem:$0x3F9F] =	sst lr;
	_ =	strace $0xD0000000  }
0x3: {  	_ = 	snop  }
0x4: {  	_ = 	snop  }
0x5: {  	_ = 	snop  }
0x6: {  	_ = 	snop  }
0x7: {  	_ = 	snop  }
__scs_overlays_trampoline_lowered:
0x8: {  	[smem:$0x3FAE] =	sst s0  }
0x9: {  	[smem:$0x3FAF] =	sst s1  }
0xa: {  	[smem:$0x3FB0] =	sst s2  }
0xb: {  	[smem:$0x3FB1] =	sst s3  }
0xc: {  	[smem:$0x3FB2] =	sst s4  }
0xd: {  	[smem:$0x3FB3] =	sst s5  }
0xe: {  	[smem:$0x3FB4] =	sst s6  }
0xf: {  	[smem:$0x3FB5] =	sst s7  }
0x10: {  	[smem:$0x3FB6] =	sst s8  }
0x11: {  	[smem:$0x3FB7] =	sst s9;
	s0 =	simm.s32 @!p0 $0x0  }
0x12: {  	s1 =	sld [smem:$0x3F9D];
	s0 =	simm.s32 @p0 $0x1  }
0x13: {  	[smem:$0x3FB8] =	sst s0;
	s0 =	simm.s32 @!p1 $0x0  }
0x14: {  	s2 =	sld [smem:$0x3F9C];
	s0 =	simm.s32 @p1 $0x1  }
0x15: {  	[smem:$0x3FB9] =	sst s0;
	s0 =	simm.s32 @!p2 $0x0  }
0x16: {  	s3 =	sld [smem:$0x3FDB];
	s0 =	simm.s32 @p2 $0x1  }
0x17: {  	s4 =	simm.s32 $0x1BF5;
	[smem:$0x3FBB] =	sst s0  }
0x18: {  	s0 =	sld [smem:$0x3F9E];
	_ =	swait.ge [sflag:s4], $0x0  }
0x19: {  	s7 =	sld [smem:$0x3F9F]  }
0x1a: {  	s8 =	sadd.s32 $0xFFFFE003, lr  }
0x1b: {  	s9 =	sadd.s32 $0xFFFFFEF7, lr;
	s5 =	simm.s32 $0xFFFFFFFF;
	p2 =	slt.u32 s8, $0xFFFFF086  }
0x1c: {  	p1 =	slt.u32 s9, $0xF7A;
	s5 =	simm.s32 @!p2 $0x0  }
0x1d: {  	s5 =	simm.s32 @p1 $0x1;
	p0 =	seq.s32 s7, s2  }
0x1e: {  	s7 =	smul.u32 @!p0 $0xF7A, s2;
	p2 =	seq.s32 @!p0 s5, $0x0  }
0x1f: {  	s9 =	smul.u32 $0xF7A, s1;
	s8 =	simm.s32 @!p0 $0x1BF5;
	p2 =	por !p2, p0  }
0x20: {  	[sflag:s8] =	ssyncset.s32 @!p0 $0xFFFFF086;
	s6 =	sadd.s32 @!p0 s3, s7;
	s7 =	simm.s32 @!p0 $0x108  }
0x21: {  	s3 =	sadd.s32 s3, s9;
	s6 =	sadd.s32 @!p0 $0x88, s6;
	s7 =	simm.s32 @p2 $0x1082  }
0x22: {  	[simem:s7], [sflag:s8] =	dma.local @!p0 [hbm:s6], $0xF7A  }
0x23: {  	s9 =	sor.u32 $0xD0000000, s2;
	s6 =	simm.s32 $0x108;
	_ =	swait.ge @!p0 [sflag:s8], $0x0  }
0x24: {  	s3 =	sadd.s32 $0x88, s3;
	s6 =	simm.s32 @!p1 $0x1082;
	[sflag:s4] =	ssyncset.s32 $0xFFFFF086  }
0x25: {  	[simem:s6], [sflag:s4] =	dma.local [hbm:s3], $0xF7A  }
0x26: {  	[smem:$0x3F9F] =	sst s1;
	(tag) =	ssettag s2;
	_ =	strace s9  }
0x27: {  	s1 =	sld [smem:$0x3FAF]  }
0x28: {  	s2 =	sld [smem:$0x3FB0]  }
0x29: {  	s4 =	sld [smem:$0x3FB2]  }
0x2a: {  	p0 =	seq.s32 s5, $0x0;
	s5 =	sld [smem:$0x3FB3]  }
0x2b: {  	s6 =	sld [smem:$0x3FB4]  }
0x2c: {  	s7 =	sld [smem:$0x3FB5]  }
0x2d: {  	s3 =	simm.s32 $0x108;
	s8 =	sld [smem:$0x3FB6]  }
0x2e: {  	s3 =	simm.s32 @!p0 $0x1082;
	s9 =	sld [smem:$0x3FB7]  }
0x2f: {  	lr =	sadd.s32 s0, s3;
	s0 =	sld [smem:$0x3FAE]  }
0x30: {  	s3 =	sld [smem:$0x3FB1]  }
0x31: {  	[smem:$0x3FBA] =	sst s10  }
0x32: {  	s10 =	sld [smem:$0x3FB8];
	_ =	sdelay $0x3  }
0x33: {  	p0 =	seq.s32 s10, $0x1;
	s10 =	sld [smem:$0x3FBA];
	_ =	sdelay $0x3  }
0x34: {  	[smem:$0x3FBA] =	sst s10  }
0x35: {  	s10 =	sld [smem:$0x3FB9];
	_ =	sdelay $0x3  }
0x36: {  	p1 =	seq.s32 s10, $0x1;
	s10 =	sld [smem:$0x3FBA];
	_ =	sdelay $0x3  }
0x37: {  	[smem:$0x3FBA] =	sst s10  }
0x38: {  	s10 =	sld [smem:$0x3FBB]  }
0x39: {  	_ = 	snop;
	(pc) =	sbr.ind lr, $3  }
0x3a: {  	_ = 	snop  }
0x3b: {  	_ = 	snop  }
0x3c: {  	p2 =	seq.s32 s10, $0x1;
	s10 =	sld [smem:$0x3FBA]  }
0x3d: {  	_ =	shalt  }
0x3e: {  	_ =	shalt  }
0x3f: {  	_ =	shalt  }
0x40: {  	_ =	shalt  }
0x41: {  	_ =	shalt  }
0x42: {  	_ =	shalt  }
0x43: {  	_ =	shalt  }
0x44: {  	_ =	shalt  }
0x45: {  	_ =	shalt  }
0x46: {  	_ =	shalt  }
0x47: {  	_ =	shalt  }
0x48: {  	_ =	shalt  }
0x49: {  	_ =	shalt  }
0x4a: {  	_ =	shalt  }
0x4b: {  	_ =	shalt  }
0x4c: {  	_ =	shalt  }
0x4d: {  	_ =	shalt  }
0x4e: {  	_ =	shalt  }
0x4f: {  	_ =	shalt  }
0x50: {  	_ =	shalt  }
0x51: {  	_ =	shalt  }
0x52: {  	_ =	shalt  }
0x53: {  	_ =	shalt  }
0x54: {  	_ =	shalt  }
0x55: {  	_ =	shalt  }
0x56: {  	_ =	shalt  }
0x57: {  	_ =	shalt  }
0x58: {  	_ =	shalt  }
0x59: {  	_ =	shalt  }
0x5a: {  	_ =	shalt  }
0x5b: {  	_ =	shalt  }
0x5c: {  	_ =	shalt  }
0x5d: {  	_ =	shalt  }
0x5e: {  	_ =	shalt  }
0x5f: {  	_ =	shalt  }
0x60: {  	_ =	shalt  }
0x61: {  	_ =	shalt  }
0x62: {  	_ =	shalt  }
0x63: {  	_ =	shalt  }
0x64: {  	_ =	shalt  }
0x65: {  	_ =	shalt  }
0x66: {  	_ =	shalt  }
0x67: {  	_ =	shalt  }
0x68: {  	_ =	shalt  }
0x69: {  	_ =	shalt  }
0x6a: {  	_ =	shalt  }
0x6b: {  	_ =	shalt  }
0x6c: {  	_ =	shalt  }
0x6d: {  	_ =	shalt  }
0x6e: {  	_ =	shalt  }
0x6f: {  	_ =	shalt  }
0x70: {  	_ =	shalt  }
0x71: {  	_ =	shalt  }
0x72: {  	_ =	shalt  }
0x73: {  	_ =	shalt  }
0x74: {  	_ =	shalt  }
0x75: {  	_ =	shalt  }
0x76: {  	_ =	shalt  }
0x77: {  	_ =	shalt  }
0x78: {  	_ =	shalt  }
0x79: {  	_ =	shalt  }
0x7a: {  	_ =	shalt  }
0x7b: {  	_ =	shalt  }
0x7c: {  	_ =	shalt  }
0x7d: {  	_ =	shalt  }
0x7e: {  	_ =	shalt  }
0x7f: {  	_ =	shalt  }
0x80: {  	_ =	shalt  }
0x81: {  	_ =	shalt  }
0x82: {  	_ =	shalt  }
0x83: {  	_ =	shalt  }
0x84: {  	_ =	shalt  }
0x85: {  	_ =	shalt  }
0x86: {  	_ =	shalt  }
0x87: {  	_ =	shalt  }
.Lfunc_end0:
.L_simem_size_0:
called_computation_lowered:
.L_overlay_start_0:
0x88: {  	s2 =	sld [smem:$0x3FD9]  }
0x89: {  	s3 =	sld [smem:$0x3FFE];
	_ =	sdelay $0x1  }
0x8a: {  	s1 =	srdreg.scid  }
0x8b: {  	s0 =	sand.u32 $0x1, s1  }
0x8c: {  	s17 =	sshll.u32 s0, $0xA;
	s2 =	sadd.s32 s3, s2  }
0x8d: {  	s2 =	sadd.s32 s2, s17  }
0x8e: {  	[smem:$0x3FC6] =	sst s2  }
0x8f: {  	_ = 	snop  }
0x90: {  	s2 =	sld [smem:$0x3FC8]  }
0x91: {  	s18 =	sld [smem:$0x3FD0];
	(tm) =	ssettm $0x1  }
0x92: {  	s4 =	sld [smem:$0x3FFB];
	_ =	sdelay $0x3  }
0x93: {  	_ =	strace s4  }
0x94: {  	s4 =	sld [smem:$0x3FFC];
	_ =	sdelay $0x3  }
0x95: {  	_ =	strace s4  }
0x96: {  	s4 =	sld [smem:$0x3FFD];
	_ =	sdelay $0x3  }
0x97: {  	_ =	strace s4  }
0x98: {  	_ =	strace $0x8FFFFFFF  }
0x99: {  	s19 =	sld [smem:$0x3FDB];
	_ =	sdelay $0x1  }
0x9a: {  	s5 =	simm.s32 $_scs_section_size  }
0x9b: {  	s6 =	simm.s32 $_size__tile_overlayer_lowered;
	s7 =	simm.s32 $_tile_overlayer_lowered  }
0x9c: {  	s22 =	simm.s32 $0x1BFF;
	s21 =	sshll.u32 s7, $0x1;
	s4 =	sadd.s32 s5, s19  }
0x9d: {  	s8 =	simm.s32 $0x0;
	s20 =	sshll.u32 s6, $0x1;
	s6 =	sadd.s32 s21, s4  }
0x9e: {  	[timem:s8], [sflag:s22] =	dma.local [hbm:s6], s20  }
0x9f: {  	_ =	swait.ge [sflag:s22], s20  }
0xa0: {  	s5 =	ssub.s32 $0x0, s20;
	[sflag:s22] =	ssyncset.done $0x0  }
0xa1: {  	[sflag:s22] =	ssyncadd.s32 s5;
	_ =	sdelay $0x1  }
0xa2: {  	s23 =	simm.s32 $0x1B8B  }
0xa3: {  	_ =	swait.ge [sflag:s23], $0x1  }
0xa4: {  	[sflag:s23] =	ssyncset.done $0x0  }
0xa5: {  	s25 =	simm.s32 $0x1B8E;
	s24 =	sld [smem:$0x3FFE];
	[sflag:s23] =	ssyncadd.s32 $0xFFFFFFFF  }
0xa6: {  	s26 =	simm.s32 $execute0_lowered;
	[smem:$0x3FD2] =	sst s25  }
0xa7: {  	s6 =	sshll.u32 s26, $0x1;
	_ =	strace $0x80000046;
	[dreg:$0x1] =	wrdreg $0xFFFFFFFF  }
0xa8: {  	s28 =	simm.s32 $_size_execute0_lowered;
	s4 =	sadd.s32 s4, s6;
	[dreg:$0x0] =	wrdreg $0x0  }
0xa9: {  	s6 =	sshll.u32 s28, $0x1;
	[dreg:$0x2] =	wrdreg s4  }
0xaa: {  	[dreg:$0x3] =	wrdreg s6  }
0xab: {  	[dreg:$0x4] =	wrdreg $0xC0  }
0xac: {  	_ =	task [dreg:s8], $0x5FFFF  }
0xad: {  	[dreg:$0x1] =	wrdreg $0xFFFFFFFF  }
0xae: {  	[dreg:$0x0] =	wrdreg $0x60  }
0xaf: {  	[dreg:$0x2] =	wrdreg s24  }
0xb0: {  	[dreg:$0x3] =	wrdreg s2  }
0xb1: {  	[dreg:$0x4] =	wrdreg s18  }
0xb2: {  	[dreg:$0x5] =	wrdreg $0x164000  }
0xb3: {  	[dreg:$0x6] =	wrdreg $0x9  }
0xb4: {  	_ =	task.clear_ibuf [dreg:s8], $0x7FFFF;
	_ =	strace $0x90000046  }
0xb5: {  	s29 =	simm.s32 $0x9;
	_ =	strace $0x80000048  }
0xb6: {  	_ =	swait.ge [sflag:s29], $0x1  }
0xb7: {  	[sflag:s29] =	ssyncadd.s32 $0xFFFFFFFF  }
0xb8: {  	_ =	strace $0x90000048  }
0xb9: {  	_ =	sfence  }
0xba: {  	s30 =	sld [smem:$0x0];
	_ =	sdelay $0x2  }
0xbb: {  	s31 =	sshll.u32 s1, $0xD;
	s1 =	sshrl.u32 s1, $0x2  }
0xbc: {  	s3 =	sand.u32 $0x4000, s31;
	s1 =	sadd.s32 s1, s30  }
0xbd: {  	s0 =	sor.u32 s3, s0;
	s1 =	sshll.u32 s1, $0x11  }
0xbe: {  	s0 =	sor.u32 s1, s0  }
0xbf: {  	s0 =	sadd.s32 $0x8F2B, s0  }
0xc0: {  	[sflag:s0] =	ssyncadd.remote.s32 $0x1  }
0xc1: {  	_ =	sfence.sel $0xFFFF  }
0xc2: {  	[dreg:$0x0] =	wrdreg $0xFFFFFFFF;
	(pc) =	sbr.abs _section_cstart, $3  }
0xc3: {  	[dreg:$0x1] =	wrdreg $0xFFFFFFFF  }
0xc4: {  	_ =	task.clear_ibuf [dreg:s8], $0x2FFFF;
	_ =	strace $0x9FFFFFFF  }
0xc5: {  	(tm) =	ssettm $0x7FFFFFFF  }
tec
execute0_lowered:
.L_overlay_start_1:
0x0: {  	(tag) =	ssettag $0x1  }
0x1: {  	s0 =	rddreg [dreg:$0x0];
	s1 =	srdreg.scid  }
0x2: {  	s12 =	stileid.u32;
	s10 =	rddreg [dreg:$0x2]  }
0x3: {  	s2 =	rddreg [dreg:$0x3];
	s14 =	simm.s32 $0x80;
	s15 =	simm.s32 $0x6400  }
0x4: {  	s16 =	simm.s32 $0xA400;
	s18 =	simm.s32 $0xE400;
	s20 =	simm.s32 $0x12400  }
0x5: {  	s21 =	simm.s32 $0x1;
	s22 =	simm.s32 $0x2;
	s23 =	simm.s32 $0x3  }
0x6: {  	s24 =	simm.s32 $0x4;
	s28 =	simm.s32 $0x7;
	s11 =	smul.u32 $0x640000, s12  }
0x7: {  	s29 =	simm.s32 $0x8;
	s1 =	sand.u32 $0x1, s1;
	s13 =	smul.u32 $0xC8000, s12  }
0x8: {  	s30 =	simm.s32 $0x0;
	s3 =	sshll.u32 s12, $0x1;
	s26 =	smul.u32 $0x320000, s1  }
0x9: {  	s4 =	sor.u32 s1, s3;
	s6 =	ssub.s32 $0x2, s1;
	s1 =	smul.u32 $0x64000, s1  }
0xa: {  	p0 =	sne.s32 s12, $0x0;
	s3 =	simm.s32 $0x0;
	s5 =	smul.u32 $0x6400, s4  }
0xb: {  	s12 =	sshrl.u32 @!p0 s2, $0x3;
	[smem:$0x7FF] =	sst s3;
	s4 =	smul.u32 $0x320000, s4  }
0xc: {  	s25 =	sshrl.u32 s6, $0x1;
	s31 =	sadd.s32 s13, s10;
	s13 =	simm.s32 $0x9  }
0xd: {  	_ =	strace $0x80000047;
	s9 =	ssub.s32 s6, s25;
	s5 =	sshrl.u32 s5, $0x3  }
0xe: {  	s25 =	simm.s32 $0x5;
	s4 =	sshrl.u32 s4, $0x3;
	s0 =	sadd.s32 s5, s0  }
0xf: {  	s9 =	smax.u32 s9, $0x1;
	s8 =	sadd.s32 s10, s4;
	s4 =	sadd.s32 $0x400, s0  }
0x10: {  	s5 =	sadd.s32 $0x62000, s8;
	s6 =	sadd.s32 $0x62800, s8;
	s0 =	sadd.s32 s26, s11  }
0x11: {  	s7 =	sadd.s32 $0x63000, s8;
	s8 =	sadd.s32 $0x63800, s8;
	s0 =	sshrl.u32 s0, $0x3  }
0x12: {  	s11 =	sadd.s32 s1, s31;
	s26 =	simm.s32 $0x6;
	s10 =	sadd.s32 s0, s10  }
.LBB2_1:
0x13: {  	s0 =	simm.s32 @!p0 $0x1C09;
	s1 =	rddreg [dreg:$0x1]  }
0x14: {  	[spmem:s12], [sflag:s0] =	dma.local @!p0 [hbm:s1], $0x7420  }
0x15: {  	s0 =	simm.s32 @!p0 $0x9  }
0x16: {  	_ =	swait.ge @!p0 [sflag:s0], $0x7420  }
0x17: {  	[sflag:s0] =	ssyncset.done @!p0 $0x0  }
0x18: {  	[sflag:s0] =	ssyncadd.s32 @!p0 $0xFFFF8BE0  }
0x19: {  	[tilespmem:s3], [sflag:$0x9] =	stream.linear.gather [hbm4b:s4+s3], $0x6400, $0x38;
	[tilespmem:$0x19E10] =	vst v63  }
0x1a: {  	_ =	swait.ge [sflag:s13], $0x6400  }
0x1b: {  	[sflag:s13] =	ssyncset.done $0x0  }
0x1c: {  	[sflag:s13] =	ssyncadd.s32 $0xFFFF9C00  }
0x1d: {  	[bflag:$0x0] =	sbarrier.arrive $0xFFFF  }
0x1e: {  	[tilespmem:s15], [sflag:$0x1] =	stream.indirect.gather [spmem:s2], $0x80, s3, s14, $0xb8;
	[tilespmem:$0x19E10] =	vst v63  }
0x1f: {  	_ = 	snop  }
0x20: {  	[tilespmem:s16], [sflag:$0x2] =	stream.indirect.gather [spmem:s2], $0x80, s14, s14, $0xb8;
	[tilespmem:$0x19E10] =	vst v63  }
0x21: {  	s17 =	simm.s32 $0x100  }
0x22: {  	[tilespmem:s18], [sflag:$0x3] =	stream.indirect.gather [spmem:s2], $0x80, s17, s14, $0xb8;
	[tilespmem:$0x19E10] =	vst v63  }
0x23: {  	s19 =	simm.s32 $0x180  }
0x24: {  	[tilespmem:s20], [sflag:$0x4] =	stream.indirect.gather [spmem:s2], $0x80, s19, s14, $0xb8;
	[tilespmem:$0x19E10] =	vst v63  }
0x25: {  	_ =	swait.ge [sflag:s21], $0x4000  }
0x26: {  	[sflag:s21] =	ssyncset.done $0x0  }
0x27: {  	s1 =	sadd.s32 $0x0, s10;
	[sflag:s21] =	ssyncadd.s32 $0xFFFFC000  }
0x28: {  	[hbm4b:s1+s3] =	stream.linear.scatter [tilespmem:s15], [sflag:$0x5], $0x4000, $0x38;
	[tilespmem:$0x19E10] =	vst v63  }
0x29: {  	_ =	swait.ge [sflag:s22], $0x4000  }
0x2a: {  	s0 =	sadd.s32 $0x0, s11;
	[sflag:s22] =	ssyncset.done $0x0  }
0x2b: {  	s17 =	sadd.s32 $0x800, s0;
	[sflag:s22] =	ssyncadd.s32 $0xFFFFC000  }
0x2c: {  	[hbm4b:s17+s3] =	stream.linear.scatter [tilespmem:s16], [sflag:$0x6], $0x4000, $0x38;
	[tilespmem:$0x19E10] =	vst v63  }
0x2d: {  	_ =	swait.ge [sflag:s23], $0x4000  }
0x2e: {  	[sflag:s23] =	ssyncset.done $0x0  }
0x2f: {  	s19 =	sadd.s32 $0x1000, s0;
	[sflag:s23] =	ssyncadd.s32 $0xFFFFC000  }
0x30: {  	[hbm4b:s19+s3] =	stream.linear.scatter [tilespmem:s18], [sflag:$0x7], $0x4000, $0x38;
	[tilespmem:$0x19E10] =	vst v63  }
0x31: {  	_ =	swait.ge [sflag:s24], $0x4000  }
0x32: {  	[sflag:s24] =	ssyncset.done $0x0  }
0x33: {  	s0 =	sadd.s32 $0x1800, s0;
	[sflag:s24] =	ssyncadd.s32 $0xFFFFC000  }
0x34: {  	[hbm4b:s0+s3] =	stream.linear.scatter [tilespmem:s20], [sflag:$0x8], $0x4000, $0x38;
	[tilespmem:$0x19E10] =	vst v63  }
0x35: {  	_ =	swait.ge [sflag:s25], $0x4000  }
0x36: {  	[sflag:s25] =	ssyncset.done $0x0  }
0x37: {  	s1 =	simm.s32 $0x200;
	[sflag:s25] =	ssyncadd.s32 $0xFFFFC000  }
0x38: {  	[tilespmem:s15], [sflag:$0x1] =	stream.indirect.gather [spmem:s2], $0x80, s1, s14, $0xb8;
	[tilespmem:$0x19E10] =	vst v63  }
0x39: {  	_ =	swait.ge [sflag:s26], $0x4000  }
0x3a: {  	[sflag:s26] =	ssyncset.done $0x0  }
0x3b: {  	s17 =	simm.s32 $0x280;
	[sflag:s26] =	ssyncadd.s32 $0xFFFFC000  }
0x3c: {  	[tilespmem:s16], [sflag:$0x2] =	stream.indirect.gather [spmem:s2], $0x80, s17, s14, $0xb8;
	[tilespmem:$0x19E10] =	vst v63  }
0x3d: {  	_ =	swait.ge [sflag:s28], $0x4000  }
0x3e: {  	[sflag:s28] =	ssyncset.done $0x0  }
0x3f: {  	s19 =	simm.s32 $0x300;
	[sflag:s28] =	ssyncadd.s32 $0xFFFFC000  }
0x40: {  	[tilespmem:s18], [sflag:$0x3] =	stream.indirect.gather [spmem:s2], $0x80, s19, s14, $0xb8;
	[tilespmem:$0x19E10] =	vst v63  }
0x41: {  	_ =	swait.ge [sflag:s29], $0x4000  }
0x42: {  	s31 =	simm.s32 $0x380;
	[sflag:s29] =	ssyncset.done $0x0  }
0x43: {  	s0 =	simm.s32 $0x580;
	s1 =	simm.s32 $0x2000;
	[sflag:s29] =	ssyncadd.s32 $0xFFFFC000  }
.LBB2_2:
0x44: {  	[tilespmem:s20], [sflag:$0x4] =	stream.indirect.gather [spmem:s2], $0x80, s31, s14, $0xb8;
	[tilespmem:$0x19E10] =	vst v63  }
0x45: {  	s17 =	smov.u32 s1;
	s31 =	smov.u32 s0  }
0x46: {  	p1 =	sne.s32 s1, $0x60000;
	s1 =	sadd.s32 $0x2000, s1;
	_ =	swait.ge [sflag:s21], $0x4000  }
0x47: {  	[sflag:s21] =	ssyncset.done $0x0  }
0x48: {  	s19 =	sadd.s32 s17, s10;
	[sflag:s21] =	ssyncadd.s32 $0xFFFFC000  }
0x49: {  	[hbm4b:s19+s3] =	stream.linear.scatter [tilespmem:s15], [sflag:$0x5], $0x4000, $0x38;
	[tilespmem:$0x19E10] =	vst v63  }
0x4a: {  	_ =	swait.ge [sflag:s22], $0x4000  }
0x4b: {  	s17 =	sadd.s32 s17, s11;
	[sflag:s22] =	ssyncset.done $0x0  }
0x4c: {  	s19 =	sadd.s32 $0x800, s17;
	[sflag:s22] =	ssyncadd.s32 $0xFFFFC000  }
0x4d: {  	[hbm4b:s19+s3] =	stream.linear.scatter [tilespmem:s16], [sflag:$0x6], $0x4000, $0x38;
	[tilespmem:$0x19E10] =	vst v63  }
0x4e: {  	_ =	swait.ge [sflag:s23], $0x4000  }
0x4f: {  	[sflag:s23] =	ssyncset.done $0x0  }
0x50: {  	s19 =	sadd.s32 $0x1000, s17;
	[sflag:s23] =	ssyncadd.s32 $0xFFFFC000  }
0x51: {  	[hbm4b:s19+s3] =	stream.linear.scatter [tilespmem:s18], [sflag:$0x7], $0x4000, $0x38;
	[tilespmem:$0x19E10] =	vst v63  }
0x52: {  	_ =	swait.ge [sflag:s24], $0x4000  }
0x53: {  	[sflag:s24] =	ssyncset.done $0x0  }
0x54: {  	s17 =	sadd.s32 $0x1800, s17;
	[sflag:s24] =	ssyncadd.s32 $0xFFFFC000  }
0x55: {  	[hbm4b:s17+s3] =	stream.linear.scatter [tilespmem:s20], [sflag:$0x8], $0x4000, $0x38;
	[tilespmem:$0x19E10] =	vst v63  }
0x56: {  	_ =	swait.ge [sflag:s25], $0x4000  }
0x57: {  	[sflag:s25] =	ssyncset.done $0x0  }
0x58: {  	s17 =	sadd.s32 $0xFFFFFE80, s0;
	[sflag:s25] =	ssyncadd.s32 $0xFFFFC000  }
0x59: {  	[tilespmem:s15], [sflag:$0x1] =	stream.indirect.gather [spmem:s2], $0x80, s17, s14, $0xb8;
	[tilespmem:$0x19E10] =	vst v63  }
0x5a: {  	_ =	swait.ge [sflag:s26], $0x4000  }
0x5b: {  	[sflag:s26] =	ssyncset.done $0x0  }
0x5c: {  	s17 =	sadd.s32 $0xFFFFFF00, s0;
	[sflag:s26] =	ssyncadd.s32 $0xFFFFC000  }
0x5d: {  	[tilespmem:s16], [sflag:$0x2] =	stream.indirect.gather [spmem:s2], $0x80, s17, s14, $0xb8;
	[tilespmem:$0x19E10] =	vst v63  }
0x5e: {  	_ =	swait.ge [sflag:s28], $0x4000  }
0x5f: {  	[sflag:s28] =	ssyncset.done $0x0  }
.Ltmp0:
0x60: {  	s17 =	sadd.s32 $0xFFFFFF80, s0;
	[sflag:s28] =	ssyncadd.s32 $0xFFFFC000;
	(pc) =	sbr.rel @p1 .LBB2_2-.Ltmp0, $4  }
0x61: {  	[tilespmem:s18], [sflag:$0x3] =	stream.indirect.gather [spmem:s2], $0x80, s17, s14, $0xb8;
	[tilespmem:$0x19E10] =	vst v63  }
0x62: {  	_ =	swait.ge [sflag:s29], $0x4000  }
0x63: {  	[sflag:s29] =	ssyncset.done $0x0  }
0x64: {  	s0 =	sadd.s32 $0x200, s0;
	[sflag:s29] =	ssyncadd.s32 $0xFFFFC000  }
0x65: {  	[tilespmem:s20], [sflag:$0x4] =	stream.indirect.gather [spmem:s2], $0x80, s31, s14, $0xb8;
	[tilespmem:$0x19E10] =	vst v63  }
0x66: {  	_ =	swait.ge [sflag:s21], $0x4000  }
0x67: {  	[sflag:s21] =	ssyncset.done $0x0  }
0x68: {  	[sflag:s21] =	ssyncadd.s32 $0xFFFFC000  }
0x69: {  	[hbm4b:s5+s3] =	stream.linear.scatter [tilespmem:s15], [sflag:$0x5], $0x4000, $0x38;
	[tilespmem:$0x19E10] =	vst v63  }
0x6a: {  	_ =	swait.ge [sflag:s22], $0x4000  }
0x6b: {  	[sflag:s22] =	ssyncset.done $0x0  }
0x6c: {  	[sflag:s22] =	ssyncadd.s32 $0xFFFFC000  }
0x6d: {  	[hbm4b:s6+s3] =	stream.linear.scatter [tilespmem:s16], [sflag:$0x6], $0x4000, $0x38;
	[tilespmem:$0x19E10] =	vst v63  }
0x6e: {  	_ =	swait.ge [sflag:s23], $0x4000  }
0x6f: {  	[sflag:s23] =	ssyncset.done $0x0  }
0x70: {  	[sflag:s23] =	ssyncadd.s32 $0xFFFFC000  }
0x71: {  	[hbm4b:s7+s3] =	stream.linear.scatter [tilespmem:s18], [sflag:$0x7], $0x4000, $0x38;
	[tilespmem:$0x19E10] =	vst v63  }
0x72: {  	_ =	swait.ge [sflag:s24], $0x4000  }
0x73: {  	[sflag:s24] =	ssyncset.done $0x0  }
0x74: {  	[sflag:s24] =	ssyncadd.s32 $0xFFFFC000  }
0x75: {  	[hbm4b:s8+s3] =	stream.linear.scatter [tilespmem:s20], [sflag:$0x8], $0x4000, $0x38;
	[tilespmem:$0x19E10] =	vst v63  }
0x76: {  	_ =	swait.ge [sflag:s25], $0x4000  }
0x77: {  	[sflag:s25] =	ssyncset.done $0x0  }
0x78: {  	[sflag:s25] =	ssyncadd.s32 $0xFFFFC000  }
0x79: {  	_ =	swait.ge [sflag:s26], $0x4000  }
0x7a: {  	[sflag:s26] =	ssyncset.done $0x0  }
0x7b: {  	s30 =	sadd.s32 $0x1, s30;
	[sflag:s26] =	ssyncadd.s32 $0xFFFFC000  }
0x7c: {  	p1 =	sne.s32 s30, s9;
	_ =	swait.ge [sflag:s28], $0x4000  }
.Ltmp1:
0x7d: {  	[sflag:s28] =	ssyncset.done $0x0;
	(pc) =	sbr.rel @p1 .LBB2_1-.Ltmp1, $4  }
0x7e: {  	[sflag:s28] =	ssyncadd.s32 $0xFFFFC000  }
0x7f: {  	_ =	swait.ge [sflag:s29], $0x4000  }
0x80: {  	[sflag:s29] =	ssyncset.done $0x0  }
0x81: {  	[sflag:s29] =	ssyncadd.s32 $0xFFFFC000  }
0x82: {  	_ =	sfence.sel $0x180000  }
0x83: {  	[bflag:$0x0] =	sbarrier.arrive $0xFFFF  }
0x84: {  	_ =	strace $0x90000047  }
0x85: {  	[bflag:$0x2] =	sbarrier.arrive $0xFFFF  }
0x86: {  	s0 =	rddreg [dreg:$0x4]  }
0x87: {  	s0 =	sadd.s32 @!p0 $0x100000, s0  }
0x88: {  	[sflag:s0] =	ssyncadd.tile.s32 @!p0 $0x1;
	_ =	shalt  }
.Lfunc_end2:
_tile_overlayer_lowered:
.L_overlay_start_2:
0x89: {  	(tag) =	ssettag $0x2  }
0x8a: {  	s0 =	rddreg [dreg:$0x0];
	s2 =	stileid.u32  }
0x8b: {  	s1 =	rddreg [dreg:$0x1];
	p0 =	sne.s32 s2, $0x0  }
0x8c: {  	s3 =	rddreg [dreg:$0x2];
	[bflag:$0x3] =	sbarrier.arrive $0xFFFF;
	s2 =	simm.s32 @!p0 $0x1C09  }
0x8d: {  	[timem:s3], [sflag:s2] =	dma.local @!p0 [hbm:s0], s1  }
0x8e: {  	s0 =	simm.s32 @!p0 $0x9  }
0x8f: {  	_ =	swait.ge @!p0 [sflag:s0], s1  }
0x90: {  	s1 =	ssub.s32 @!p0 $0x0, s1;
	[sflag:s0] =	ssyncset.done @!p0 $0x0  }
0x91: {  	[sflag:s0] =	ssyncadd.s32 @!p0 s1  }
0x92: {  	[bflag:$0x3] =	sbarrier.arrive $0xFFFF  }
0x93: {  	_ =	shalt  }

</sc_bundles>
